<compile_context>
chip_gen: v7x
topology: tpu7x:2x2x1
jax: 0.10.2.dev20260603
libtpu: 0.0.44.dev20260713+nightly
codegen_flags: <defaults>
</compile_context>

<pallas_src>
import functools

import jax
import jax.numpy as jnp
from jax import lax
from jax.experimental import pallas as pl
from jax.experimental.pallas import tpu as pltpu
from jax.experimental.pallas import tpu_sc as plsc

_NIMG = 4
_NCLS = 8
_NPIX = 224 * 224
_NCHK = 8
_CPIX = _NPIX // _NCHK
_NIC = _NIMG * _NCLS
_B = 2048
_BSCALE = _B - 0.5
_NGRP = _CPIX // 16



_sc_mesh = plsc.VectorSubcoreMesh(core_axis_name="c", subcore_axis_name="s")


@functools.partial(
    pl.kernel,
    out_type=jax.ShapeDtypeStruct((_NCHK, _NIC, 2 * _B), jnp.float32),
    mesh=_sc_mesh,
    compiler_params=pltpu.CompilerParams(needs_layout_passes=False),
    scratch_types=(
        [pltpu.VMEM((_CPIX,), jnp.float32) for _ in range(_NCLS)]
        + [pltpu.VMEM((_CPIX,), jnp.int32)]
        + [pltpu.VMEM((2 * _B,), jnp.float32) for _ in range(_NCLS)]
        + [pltpu.SemaphoreType.DMA]
    ),
)
def _sc_hist(pred_hbm, tgt_hbm, out_hbm, *scratch):
    ch_vs = scratch[:_NCLS]
    t_v = scratch[_NCLS]
    h_vs = scratch[_NCLS + 1:2 * _NCLS + 1]
    sem = scratch[2 * _NCLS + 1]

    wid = lax.axis_index("s") * 2 + lax.axis_index("c")
    img = wid // _NCHK
    chk = wid % _NCHK

    copies = [
        pltpu.async_copy(pred_hbm.at[img, c, chk], ch_vs[c], sem)
        for c in range(_NCLS)
    ]
    copies.append(pltpu.async_copy(tgt_hbm.at[img, chk], t_v, sem))

    zeros16 = jnp.zeros((16,), jnp.float32)
    ones16 = jnp.ones((16,), jnp.float32)
    scale = jnp.float32(_BSCALE)

    def _zero(k, carry):
        off = pl.ds(pl.multiple_of(k * 16, 16), 16)
        for ref in h_vs:
            ref[off] = zeros16
        return carry

    lax.fori_loop(0, 2 * _B // 16, _zero, 0)

    for cp in copies:
        cp.wait()

    def _load(j):
        off = pl.ds(pl.multiple_of(j * 16, 16), 16)
        return tuple(ch_vs[c][off] for c in range(_NCLS)) + (t_v[off],)

    def _process(carry):
        es = carry[:_NCLS]
        t16 = carry[_NCLS]
        exs = [jnp.exp(x) for x in es]
        s01 = exs[0] + exs[1]
        s23 = exs[2] + exs[3]
        s45 = exs[4] + exs[5]
        s67 = exs[6] + exs[7]
        s03 = s01 + s23
        s47 = s45 + s67
        s = s03 + s47
        r = scale / s
        ps = [e * r for e in exs]
        bs = [p.astype(jnp.int32) for p in ps]
        eqs = [t16 == c for c in range(_NCLS)]
        ups = [b + _B for b in bs]
        bbs = [jnp.where(eqs[c], ups[c], bs[c]) for c in range(_NCLS)]
        for c, ref in enumerate(h_vs):
            plsc.addupdate_scatter(ref, [bbs[c]], ones16)

    def _body(j, carry):
        nxt = _load(j + 1)
        _process(carry)
        return nxt

    last = lax.fori_loop(0, _NGRP - 1, _body, _load(0))
    _process(last)

    row = img * _NCLS
    for c, ref in enumerate(h_vs):
        pltpu.sync_copy(ref, out_hbm.at[chk, row + c])



def _finalize_body(h_ref, o_ref):
    x = h_ref[...]
    cnt2 = x[0]
    for k in range(1, _NCHK):
        cnt2 = cnt2 + x[k]
    cnt = cnt2[:, :_B]
    pos = cnt2[:, _B:]

    npixf = jnp.float32(_NPIX)
    n_neg = jnp.sum(cnt, axis=1, keepdims=True)
    p_cnt = npixf - n_neg

    csum = cnt
    d = 1
    while d < _B:
        shifted = jnp.concatenate(
            [jnp.zeros((_NIC, d), jnp.float32), csum[:, : _B - d]], axis=1)
        csum = csum + shifted
        d *= 2

    k_above = n_neg - csum
    pk = p_cnt + k_above
    d_w = p_cnt * cnt / (jnp.maximum(pk, 1.0) * (pk + cnt))
    d_w = d_w + jnp.where((p_cnt == 0.0) & (k_above == 0.0) & (cnt > 0.0),
                          1.0, 0.0)
    mid = (lax.broadcasted_iota(jnp.int32, (_NIC, _B), 1).astype(jnp.float32)
           + 0.5) / jnp.float32(_BSCALE)
    neg_part = jnp.sum(d_w * (1.0 + mid), axis=1, keepdims=True)

    sum_pos = jnp.sum(pos * mid, axis=1, keepdims=True)
    loss = neg_part + (p_cnt - sum_pos) / npixf
    o_ref[...] = jnp.sum(loss, axis=(0, 1), keepdims=True) / jnp.float32(_NIC)


def _finalize(hist):
    return pl.pallas_call(
        _finalize_body,
        out_shape=jax.ShapeDtypeStruct((1, 1), jnp.float32),
    )(hist)


def kernel(pred, target):
    pred4 = pred.reshape(_NIMG, _NCLS, _NCHK, _CPIX)
    tgt3 = target.reshape(_NIMG, _NCHK, _CPIX).astype(jnp.int32)
    hist = _sc_hist(pred4, tgt3)
    return _finalize(hist)[0, 0]

# --- scband reference (transcript-rebuilt; emitter-appended) ---
"""Pipeline reference for scband-lovasz-loss-15805479649596 (READ-ONLY COPY).

The authoritative reference and input builder live on the scoring server;
editing this copy changes nothing except your own understanding.
"""

import jax, jax.numpy as jnp
import numpy as np


def _lovasz_grad(gt_sorted):
    gts = gt_sorted.sum()
    intersection = gts - jnp.cumsum(gt_sorted, axis=0)
    union = gts + jnp.cumsum(1.0 - gt_sorted, axis=0)
    jaccard = 1.0 - intersection / union
    jaccard = jnp.concatenate([jaccard[:1], jaccard[1:] - jaccard[:-1]], axis=0)
    return jaccard


def _lovasz_hinge(pred_flat, target_flat):
    signs = 2.0 * target_flat - 1.0
    errors = 1.0 - pred_flat * signs
    perm = jnp.argsort(-errors)  # descending sort permutation (indices are constants, like torch perm.data)
    errors_sorted = errors[perm]
    gt_sorted = target_flat[perm]
    grad = jax.lax.stop_gradient(_lovasz_grad(gt_sorted))
    return jnp.dot(jax.nn.relu(errors_sorted), grad)


def setup_inputs(seed: int = 0) -> dict:
    key = jax.random.key(seed)
    k1, k2 = jax.random.split(key)
    pred = jax.random.normal(k1, (4, 8, 224, 224), dtype=jnp.float32)
    target = jax.random.randint(k2, (4, 224, 224), 0, 8).astype(jnp.int64)
    return {"pred": pred, "target": target}


def reference(pred, target):
    pred = jax.nn.softmax(pred, axis=1)
    batch_size = pred.shape[0]
    num_classes = pred.shape[1]
    total_loss = jnp.float32(0.0)
    for i in range(batch_size):
        for c in range(num_classes):
            pred_flat = pred[i, c].reshape(-1)
            target_flat = (target[i] == c).astype(jnp.float32).reshape(-1)
            total_loss = total_loss + _lovasz_hinge(pred_flat, target_flat)
    return total_loss / (batch_size * num_classes)

if __name__ == "__main__":
    import jax
    _d = setup_inputs()
    print(jax.jit(kernel)(*tuple(_d.values())))

</pallas_src>

<mosaic_0001>
#map = affine_map<(d0, d1) -> (0, 0, 0, 0)>
#map1 = affine_map<(d0, d1) -> (0, 0, 0)>
module attributes {stable_mosaic.version = 14 : i64} {
  func.func @_sc_hist(%arg0: i32, %arg1: i32, %arg2: memref<4x8x8x6272xf32, #tpu.memory_space<hbm>>, %arg3: memref<4x8x6272xi32, #tpu.memory_space<hbm>>, %arg4: memref<8x32x4096xf32, #tpu.memory_space<hbm>>, %arg5: memref<6272xf32, #tpu.memory_space<vmem>>, %arg6: memref<6272xf32, #tpu.memory_space<vmem>>, %arg7: memref<6272xf32, #tpu.memory_space<vmem>>, %arg8: memref<6272xf32, #tpu.memory_space<vmem>>, %arg9: memref<6272xf32, #tpu.memory_space<vmem>>, %arg10: memref<6272xf32, #tpu.memory_space<vmem>>, %arg11: memref<6272xf32, #tpu.memory_space<vmem>>, %arg12: memref<6272xf32, #tpu.memory_space<vmem>>, %arg13: memref<6272xi32, #tpu.memory_space<vmem>>, %arg14: memref<4096xf32, #tpu.memory_space<vmem>>, %arg15: memref<4096xf32, #tpu.memory_space<vmem>>, %arg16: memref<4096xf32, #tpu.memory_space<vmem>>, %arg17: memref<4096xf32, #tpu.memory_space<vmem>>, %arg18: memref<4096xf32, #tpu.memory_space<vmem>>, %arg19: memref<4096xf32, #tpu.memory_space<vmem>>, %arg20: memref<4096xf32, #tpu.memory_space<vmem>>, %arg21: memref<4096xf32, #tpu.memory_space<vmem>>, %arg22: memref<!tpu.dma_semaphore, #tpu.memory_space<semaphore_mem>>) attributes {dimension_semantics = [#tpu.dimension_semantics<core_parallel>, #tpu.dimension_semantics<subcore_parallel>], iteration_bounds = array<i64: 2, 16>, scalar_prefetch = 0 : i64, scratch_operands = 18 : i64, tpu.core_type = #tpu.core_type<sc_vector_subcore>, window_params = [{transform_indices = #map}, {transform_indices = #map1}, {transform_indices = #map1}]} {
    %mul3A = arith.constant 2 : i32
    %mul3A_0 = arith.muli %arg1, %mul3A : i32
    %add3A = arith.addi %mul3A_0, %arg0 : i32
    %jit3A = arith.constant 8 : i32
    %div3A = arith.divsi %add3A, %jit3A : i32
    %sign3A = arith.constant 0 : i32
    %sign3A_1 = arith.cmpi sgt, %add3A, %sign3A : i32
    %sign3A_2 = arith.extui %sign3A_1 : i1 to i32
    %sign3A_3 = arith.constant 0 : i32
    %sign3A_4 = arith.cmpi slt, %add3A, %sign3A_3 : i32
    %sign3A_5 = arith.extui %sign3A_4 : i1 to i32
    %sign3A_6 = arith.subi %sign3A_2, %sign3A_5 : i32
    %sign3A_7 = arith.constant 0 : i32
    %sign3A_8 = arith.cmpi sgt, %jit3A, %sign3A_7 : i32
    %sign3A_9 = arith.extui %sign3A_8 : i1 to i32
    %sign3A_10 = arith.constant 0 : i32
    %sign3A_11 = arith.cmpi slt, %jit3A, %sign3A_10 : i32
    %sign3A_12 = arith.extui %sign3A_11 : i1 to i32
    %sign3A_13 = arith.subi %sign3A_9, %sign3A_12 : i32
    %ne3A = arith.cmpi ne, %sign3A_6, %sign3A_13 : i32
    %rem3A = arith.remsi %add3A, %jit3A : i32
    %ne3A_14 = arith.constant 0 : i32
    %ne3A_15 = arith.cmpi ne, %rem3A, %ne3A_14 : i32
    %and3A = arith.andi %ne3A, %ne3A_15 : i1
    %sub3A = arith.constant 1 : i32
    %sub3A_16 = arith.subi %div3A, %sub3A : i32
    %select_n3A = arith.select %and3A, %sub3A_16, %div3A : i32
    %jit3A_17 = arith.constant 8 : i32
    %eq3A = arith.constant 0 : i32
    %eq3A_18 = arith.cmpi eq, %jit3A_17, %eq3A : i32
    %jit3A_19 = arith.constant 1 : i32
    %select_n3A_20 = arith.select %eq3A_18, %jit3A_19, %jit3A_17 : i32
    %rem3A_21 = arith.remsi %add3A, %select_n3A_20 : i32
    %ne3A_22 = arith.constant 0 : i32
    %ne3A_23 = arith.cmpi ne, %rem3A_21, %ne3A_22 : i32
    %lt3A = arith.constant 0 : i32
    %lt3A_24 = arith.cmpi slt, %rem3A_21, %lt3A : i32
    %lt3A_25 = arith.constant 0 : i32
    %lt3A_26 = arith.cmpi slt, %select_n3A_20, %lt3A_25 : i32
    %ne3A_27 = arith.xori %lt3A_24, %lt3A_26 : i1
    %and3A_28 = arith.andi %ne3A_27, %ne3A_23 : i1
    %add3A_29 = arith.addi %rem3A_21, %select_n3A_20 : i32
    %select_n3A_30 = arith.select %and3A_28, %add3A_29, %rem3A_21 : i32
    %dma_start3A = arith.constant 0 : i32
    %dma_start3A_31 = arith.constant 0 : i32
    %dma_start3A_32 = tpu.memref_slice %arg2[%select_n3A, %dma_start3A, %select_n3A_30, %dma_start3A_31] : memref<4x8x8x6272xf32, #tpu.memory_space<hbm>> -> memref<1x1x1x6272xf32, #tpu.memory_space<hbm>>
    %dma_start3A_33 = tpu.memref_squeeze %dma_start3A_32 : memref<1x1x1x6272xf32, #tpu.memory_space<hbm>> -> memref<6272xf32, #tpu.memory_space<hbm>>
    %dma_start3A_34 = arith.constant 0 : i32
    %dma_start3A_35 = tpu.memref_slice %arg2[%select_n3A, %dma_start3A, %select_n3A_30, %dma_start3A_34] : memref<4x8x8x6272xf32, #tpu.memory_space<hbm>> -> memref<1x1x1x6272xf32, #tpu.memory_space<hbm>>
    %dma_start3A_36 = tpu.memref_squeeze %dma_start3A_35 : memref<1x1x1x6272xf32, #tpu.memory_space<hbm>> -> memref<6272xf32, #tpu.memory_space<hbm>>
    tpu.enqueue_dma source(%dma_start3A_36 : memref<6272xf32, #tpu.memory_space<hbm>>) target(%arg5 : memref<6272xf32, #tpu.memory_space<vmem>>) target_semaphore(%arg22 : memref<!tpu.dma_semaphore, #tpu.memory_space<semaphore_mem>>)
    %dma_start3A_37 = arith.constant 1 : i32
    %dma_start3A_38 = arith.constant 0 : i32
    %dma_start3A_39 = tpu.memref_slice %arg2[%select_n3A, %dma_start3A_37, %select_n3A_30, %dma_start3A_38] : memref<4x8x8x6272xf32, #tpu.memory_space<hbm>> -> memref<1x1x1x6272xf32, #tpu.memory_space<hbm>>
    %dma_start3A_40 = tpu.memref_squeeze %dma_start3A_39 : memref<1x1x1x6272xf32, #tpu.memory_space<hbm>> -> memref<6272xf32, #tpu.memory_space<hbm>>
    %dma_start3A_41 = arith.constant 0 : i32
    %dma_start3A_42 = tpu.memref_slice %arg2[%select_n3A, %dma_start3A_37, %select_n3A_30, %dma_start3A_41] : memref<4x8x8x6272xf32, #tpu.memory_space<hbm>> -> memref<1x1x1x6272xf32, #tpu.memory_space<hbm>>
    %dma_start3A_43 = tpu.memref_squeeze %dma_start3A_42 : memref<1x1x1x6272xf32, #tpu.memory_space<hbm>> -> memref<6272xf32, #tpu.memory_space<hbm>>
    tpu.enqueue_dma source(%dma_start3A_43 : memref<6272xf32, #tpu.memory_space<hbm>>) target(%arg6 : memref<6272xf32, #tpu.memory_space<vmem>>) target_semaphore(%arg22 : memref<!tpu.dma_semaphore, #tpu.memory_space<semaphore_mem>>)
    %dma_start3A_44 = arith.constant 2 : i32
    %dma_start3A_45 = arith.constant 0 : i32
    %dma_start3A_46 = tpu.memref_slice %arg2[%select_n3A, %dma_start3A_44, %select_n3A_30, %dma_start3A_45] : memref<4x8x8x6272xf32, #tpu.memory_space<hbm>> -> memref<1x1x1x6272xf32, #tpu.memory_space<hbm>>
    %dma_start3A_47 = tpu.memref_squeeze %dma_start3A_46 : memref<1x1x1x6272xf32, #tpu.memory_space<hbm>> -> memref<6272xf32, #tpu.memory_space<hbm>>
    %dma_start3A_48 = arith.constant 0 : i32
    %dma_start3A_49 = tpu.memref_slice %arg2[%select_n3A, %dma_start3A_44, %select_n3A_30, %dma_start3A_48] : memref<4x8x8x6272xf32, #tpu.memory_space<hbm>> -> memref<1x1x1x6272xf32, #tpu.memory_space<hbm>>
    %dma_start3A_50 = tpu.memref_squeeze %dma_start3A_49 : memref<1x1x1x6272xf32, #tpu.memory_space<hbm>> -> memref<6272xf32, #tpu.memory_space<hbm>>
    tpu.enqueue_dma source(%dma_start3A_50 : memref<6272xf32, #tpu.memory_space<hbm>>) target(%arg7 : memref<6272xf32, #tpu.memory_space<vmem>>) target_semaphore(%arg22 : memref<!tpu.dma_semaphore, #tpu.memory_space<semaphore_mem>>)
    %dma_start3A_51 = arith.constant 3 : i32
    %dma_start3A_52 = arith.constant 0 : i32
    %dma_start3A_53 = tpu.memref_slice %arg2[%select_n3A, %dma_start3A_51, %select_n3A_30, %dma_start3A_52] : memref<4x8x8x6272xf32, #tpu.memory_space<hbm>> -> memref<1x1x1x6272xf32, #tpu.memory_space<hbm>>
    %dma_start3A_54 = tpu.memref_squeeze %dma_start3A_53 : memref<1x1x1x6272xf32, #tpu.memory_space<hbm>> -> memref<6272xf32, #tpu.memory_space<hbm>>
    %dma_start3A_55 = arith.constant 0 : i32
    %dma_start3A_56 = tpu.memref_slice %arg2[%select_n3A, %dma_start3A_51, %select_n3A_30, %dma_start3A_55] : memref<4x8x8x6272xf32, #tpu.memory_space<hbm>> -> memref<1x1x1x6272xf32, #tpu.memory_space<hbm>>
    %dma_start3A_57 = tpu.memref_squeeze %dma_start3A_56 : memref<1x1x1x6272xf32, #tpu.memory_space<hbm>> -> memref<6272xf32, #tpu.memory_space<hbm>>
    tpu.enqueue_dma source(%dma_start3A_57 : memref<6272xf32, #tpu.memory_space<hbm>>) target(%arg8 : memref<6272xf32, #tpu.memory_space<vmem>>) target_semaphore(%arg22 : memref<!tpu.dma_semaphore, #tpu.memory_space<semaphore_mem>>)
    %dma_start3A_58 = arith.constant 4 : i32
    %dma_start3A_59 = arith.constant 0 : i32
    %dma_start3A_60 = tpu.memref_slice %arg2[%select_n3A, %dma_start3A_58, %select_n3A_30, %dma_start3A_59] : memref<4x8x8x6272xf32, #tpu.memory_space<hbm>> -> memref<1x1x1x6272xf32, #tpu.memory_space<hbm>>
    %dma_start3A_61 = tpu.memref_squeeze %dma_start3A_60 : memref<1x1x1x6272xf32, #tpu.memory_space<hbm>> -> memref<6272xf32, #tpu.memory_space<hbm>>
    %dma_start3A_62 = arith.constant 0 : i32
    %dma_start3A_63 = tpu.memref_slice %arg2[%select_n3A, %dma_start3A_58, %select_n3A_30, %dma_start3A_62] : memref<4x8x8x6272xf32, #tpu.memory_space<hbm>> -> memref<1x1x1x6272xf32, #tpu.memory_space<hbm>>
    %dma_start3A_64 = tpu.memref_squeeze %dma_start3A_63 : memref<1x1x1x6272xf32, #tpu.memory_space<hbm>> -> memref<6272xf32, #tpu.memory_space<hbm>>
    tpu.enqueue_dma source(%dma_start3A_64 : memref<6272xf32, #tpu.memory_space<hbm>>) target(%arg9 : memref<6272xf32, #tpu.memory_space<vmem>>) target_semaphore(%arg22 : memref<!tpu.dma_semaphore, #tpu.memory_space<semaphore_mem>>)
    %dma_start3A_65 = arith.constant 5 : i32
    %dma_start3A_66 = arith.constant 0 : i32
    %dma_start3A_67 = tpu.memref_slice %arg2[%select_n3A, %dma_start3A_65, %select_n3A_30, %dma_start3A_66] : memref<4x8x8x6272xf32, #tpu.memory_space<hbm>> -> memref<1x1x1x6272xf32, #tpu.memory_space<hbm>>
    %dma_start3A_68 = tpu.memref_squeeze %dma_start3A_67 : memref<1x1x1x6272xf32, #tpu.memory_space<hbm>> -> memref<6272xf32, #tpu.memory_space<hbm>>
    %dma_start3A_69 = arith.constant 0 : i32
    %dma_start3A_70 = tpu.memref_slice %arg2[%select_n3A, %dma_start3A_65, %select_n3A_30, %dma_start3A_69] : memref<4x8x8x6272xf32, #tpu.memory_space<hbm>> -> memref<1x1x1x6272xf32, #tpu.memory_space<hbm>>
    %dma_start3A_71 = tpu.memref_squeeze %dma_start3A_70 : memref<1x1x1x6272xf32, #tpu.memory_space<hbm>> -> memref<6272xf32, #tpu.memory_space<hbm>>
    tpu.enqueue_dma source(%dma_start3A_71 : memref<6272xf32, #tpu.memory_space<hbm>>) target(%arg10 : memref<6272xf32, #tpu.memory_space<vmem>>) target_semaphore(%arg22 : memref<!tpu.dma_semaphore, #tpu.memory_space<semaphore_mem>>)
    %dma_start3A_72 = arith.constant 6 : i32
    %dma_start3A_73 = arith.constant 0 : i32
    %dma_start3A_74 = tpu.memref_slice %arg2[%select_n3A, %dma_start3A_72, %select_n3A_30, %dma_start3A_73] : memref<4x8x8x6272xf32, #tpu.memory_space<hbm>> -> memref<1x1x1x6272xf32, #tpu.memory_space<hbm>>
    %dma_start3A_75 = tpu.memref_squeeze %dma_start3A_74 : memref<1x1x1x6272xf32, #tpu.memory_space<hbm>> -> memref<6272xf32, #tpu.memory_space<hbm>>
    %dma_start3A_76 = arith.constant 0 : i32
    %dma_start3A_77 = tpu.memref_slice %arg2[%select_n3A, %dma_start3A_72, %select_n3A_30, %dma_start3A_76] : memref<4x8x8x6272xf32, #tpu.memory_space<hbm>> -> memref<1x1x1x6272xf32, #tpu.memory_space<hbm>>
    %dma_start3A_78 = tpu.memref_squeeze %dma_start3A_77 : memref<1x1x1x6272xf32, #tpu.memory_space<hbm>> -> memref<6272xf32, #tpu.memory_space<hbm>>
    tpu.enqueue_dma source(%dma_start3A_78 : memref<6272xf32, #tpu.memory_space<hbm>>) target(%arg11 : memref<6272xf32, #tpu.memory_space<vmem>>) target_semaphore(%arg22 : memref<!tpu.dma_semaphore, #tpu.memory_space<semaphore_mem>>)
    %dma_start3A_79 = arith.constant 7 : i32
    %dma_start3A_80 = arith.constant 0 : i32
    %dma_start3A_81 = tpu.memref_slice %arg2[%select_n3A, %dma_start3A_79, %select_n3A_30, %dma_start3A_80] : memref<4x8x8x6272xf32, #tpu.memory_space<hbm>> -> memref<1x1x1x6272xf32, #tpu.memory_space<hbm>>
    %dma_start3A_82 = tpu.memref_squeeze %dma_start3A_81 : memref<1x1x1x6272xf32, #tpu.memory_space<hbm>> -> memref<6272xf32, #tpu.memory_space<hbm>>
    %dma_start3A_83 = arith.constant 0 : i32
    %dma_start3A_84 = tpu.memref_slice %arg2[%select_n3A, %dma_start3A_79, %select_n3A_30, %dma_start3A_83] : memref<4x8x8x6272xf32, #tpu.memory_space<hbm>> -> memref<1x1x1x6272xf32, #tpu.memory_space<hbm>>
    %dma_start3A_85 = tpu.memref_squeeze %dma_start3A_84 : memref<1x1x1x6272xf32, #tpu.memory_space<hbm>> -> memref<6272xf32, #tpu.memory_space<hbm>>
    tpu.enqueue_dma source(%dma_start3A_85 : memref<6272xf32, #tpu.memory_space<hbm>>) target(%arg12 : memref<6272xf32, #tpu.memory_space<vmem>>) target_semaphore(%arg22 : memref<!tpu.dma_semaphore, #tpu.memory_space<semaphore_mem>>)
    %dma_start3A_86 = arith.constant 0 : i32
    %dma_start3A_87 = tpu.memref_slice %arg3[%select_n3A, %select_n3A_30, %dma_start3A_86] : memref<4x8x6272xi32, #tpu.memory_space<hbm>> -> memref<1x1x6272xi32, #tpu.memory_space<hbm>>
    %dma_start3A_88 = tpu.memref_squeeze %dma_start3A_87 : memref<1x1x6272xi32, #tpu.memory_space<hbm>> -> memref<6272xi32, #tpu.memory_space<hbm>>
    %dma_start3A_89 = arith.constant 0 : i32
    %dma_start3A_90 = tpu.memref_slice %arg3[%select_n3A, %select_n3A_30, %dma_start3A_89] : memref<4x8x6272xi32, #tpu.memory_space<hbm>> -> memref<1x1x6272xi32, #tpu.memory_space<hbm>>
    %dma_start3A_91 = tpu.memref_squeeze %dma_start3A_90 : memref<1x1x6272xi32, #tpu.memory_space<hbm>> -> memref<6272xi32, #tpu.memory_space<hbm>>
    tpu.enqueue_dma source(%dma_start3A_91 : memref<6272xi32, #tpu.memory_space<hbm>>) target(%arg13 : memref<6272xi32, #tpu.memory_space<vmem>>) target_semaphore(%arg22 : memref<!tpu.dma_semaphore, #tpu.memory_space<semaphore_mem>>)
    %broadcast_in_dim3A = arith.constant 0.000000e+00 : f32
    %broadcast_in_dim3A_92 = vector.broadcast %broadcast_in_dim3A : f32 to vector<16xf32>
    %broadcast_in_dim3A_93 = arith.constant 1.000000e+00 : f32
    %broadcast_in_dim3A_94 = vector.broadcast %broadcast_in_dim3A_93 : f32 to vector<16xf32>
    %scan3A = arith.constant 0 : i32
    %scan3A_95 = arith.constant 0 : i32
    %scan3A_96 = arith.constant 256 : i32
    %scan3A_97 = arith.addi %scan3A_95, %scan3A_96 : i32
    %scan3A_98 = arith.constant 1 : i32
    scf.for %scan3A_292 = %scan3A_95 to %scan3A_97 step %scan3A_98  : i32 {
      %mul3A_293 = arith.constant 16 : i32
      %mul3A_294 = arith.muli %scan3A_292, %mul3A_293 : i32
      %multiple_of3A_295 = tpu.assume_multiple %mul3A_294, 16 : i32
      %swap3A = arith.index_cast %multiple_of3A_295 : i32 to index
      %swap3A_296 = tpu.vector_load %arg14[%swap3A] {strides = array<i32>} : memref<4096xf32, #tpu.memory_space<vmem>>, vector<16xf32>,
      tpu.vector_store %arg14[%swap3A], %broadcast_in_dim3A_92 {strides = array<i32>} : memref<4096xf32, #tpu.memory_space<vmem>>, vector<16xf32>,
      %swap3A_297 = arith.index_cast %multiple_of3A_295 : i32 to index
      %swap3A_298 = tpu.vector_load %arg15[%swap3A_297] {strides = array<i32>} : memref<4096xf32, #tpu.memory_space<vmem>>, vector<16xf32>,
      tpu.vector_store %arg15[%swap3A_297], %broadcast_in_dim3A_92 {strides = array<i32>} : memref<4096xf32, #tpu.memory_space<vmem>>, vector<16xf32>,
      %swap3A_299 = arith.index_cast %multiple_of3A_295 : i32 to index
      %swap3A_300 = tpu.vector_load %arg16[%swap3A_299] {strides = array<i32>} : memref<4096xf32, #tpu.memory_space<vmem>>, vector<16xf32>,
      tpu.vector_store %arg16[%swap3A_299], %broadcast_in_dim3A_92 {strides = array<i32>} : memref<4096xf32, #tpu.memory_space<vmem>>, vector<16xf32>,
      %swap3A_301 = arith.index_cast %multiple_of3A_295 : i32 to index
      %swap3A_302 = tpu.vector_load %arg17[%swap3A_301] {strides = array<i32>} : memref<4096xf32, #tpu.memory_space<vmem>>, vector<16xf32>,
      tpu.vector_store %arg17[%swap3A_301], %broadcast_in_dim3A_92 {strides = array<i32>} : memref<4096xf32, #tpu.memory_space<vmem>>, vector<16xf32>,
      %swap3A_303 = arith.index_cast %multiple_of3A_295 : i32 to index
      %swap3A_304 = tpu.vector_load %arg18[%swap3A_303] {strides = array<i32>} : memref<4096xf32, #tpu.memory_space<vmem>>, vector<16xf32>,
      tpu.vector_store %arg18[%swap3A_303], %broadcast_in_dim3A_92 {strides = array<i32>} : memref<4096xf32, #tpu.memory_space<vmem>>, vector<16xf32>,
      %swap3A_305 = arith.index_cast %multiple_of3A_295 : i32 to index
      %swap3A_306 = tpu.vector_load %arg19[%swap3A_305] {strides = array<i32>} : memref<4096xf32, #tpu.memory_space<vmem>>, vector<16xf32>,
      tpu.vector_store %arg19[%swap3A_305], %broadcast_in_dim3A_92 {strides = array<i32>} : memref<4096xf32, #tpu.memory_space<vmem>>, vector<16xf32>,
      %swap3A_307 = arith.index_cast %multiple_of3A_295 : i32 to index
      %swap3A_308 = tpu.vector_load %arg20[%swap3A_307] {strides = array<i32>} : memref<4096xf32, #tpu.memory_space<vmem>>, vector<16xf32>,
      tpu.vector_store %arg20[%swap3A_307], %broadcast_in_dim3A_92 {strides = array<i32>} : memref<4096xf32, #tpu.memory_space<vmem>>, vector<16xf32>,
      %swap3A_309 = arith.index_cast %multiple_of3A_295 : i32 to index
      %swap3A_310 = tpu.vector_load %arg21[%swap3A_309] {strides = array<i32>} : memref<4096xf32, #tpu.memory_space<vmem>>, vector<16xf32>,
      tpu.vector_store %arg21[%swap3A_309], %broadcast_in_dim3A_92 {strides = array<i32>} : memref<4096xf32, #tpu.memory_space<vmem>>, vector<16xf32>,
    }
    %scan3A_99 = arith.constant 256 : i32
    %dma_wait3A = arith.constant 0 : i32
    %dma_wait3A_100 = arith.constant 0 : i32
    %dma_wait3A_101 = tpu.memref_slice %arg2[%select_n3A, %dma_wait3A, %select_n3A_30, %dma_wait3A_100] : memref<4x8x8x6272xf32, #tpu.memory_space<hbm>> -> memref<1x1x1x6272xf32, #tpu.memory_space<hbm>>
    %dma_wait3A_102 = tpu.memref_squeeze %dma_wait3A_101 : memref<1x1x1x6272xf32, #tpu.memory_space<hbm>> -> memref<6272xf32, #tpu.memory_space<hbm>>
    %dma_wait3A_103 = arith.constant 0 : i32
    %dma_wait3A_104 = tpu.memref_slice %arg2[%select_n3A, %dma_wait3A, %select_n3A_30, %dma_wait3A_103] : memref<4x8x8x6272xf32, #tpu.memory_space<hbm>> -> memref<1x1x1x6272xf32, #tpu.memory_space<hbm>>
    %dma_wait3A_105 = tpu.memref_squeeze %dma_wait3A_104 : memref<1x1x1x6272xf32, #tpu.memory_space<hbm>> -> memref<6272xf32, #tpu.memory_space<hbm>>
    tpu.wait_dma2 semaphore(%arg22 : memref<!tpu.dma_semaphore, #tpu.memory_space<semaphore_mem>>) src(%dma_wait3A_105 : memref<6272xf32, #tpu.memory_space<hbm>>) dst(%arg5 : memref<6272xf32, #tpu.memory_space<vmem>>)
    %dma_wait3A_106 = arith.constant 1 : i32
    %dma_wait3A_107 = arith.constant 0 : i32
    %dma_wait3A_108 = tpu.memref_slice %arg2[%select_n3A, %dma_wait3A_106, %select_n3A_30, %dma_wait3A_107] : memref<4x8x8x6272xf32, #tpu.memory_space<hbm>> -> memref<1x1x1x6272xf32, #tpu.memory_space<hbm>>
    %dma_wait3A_109 = tpu.memref_squeeze %dma_wait3A_108 : memref<1x1x1x6272xf32, #tpu.memory_space<hbm>> -> memref<6272xf32, #tpu.memory_space<hbm>>
    %dma_wait3A_110 = arith.constant 0 : i32
    %dma_wait3A_111 = tpu.memref_slice %arg2[%select_n3A, %dma_wait3A_106, %select_n3A_30, %dma_wait3A_110] : memref<4x8x8x6272xf32, #tpu.memory_space<hbm>> -> memref<1x1x1x6272xf32, #tpu.memory_space<hbm>>
    %dma_wait3A_112 = tpu.memref_squeeze %dma_wait3A_111 : memref<1x1x1x6272xf32, #tpu.memory_space<hbm>> -> memref<6272xf32, #tpu.memory_space<hbm>>
    tpu.wait_dma2 semaphore(%arg22 : memref<!tpu.dma_semaphore, #tpu.memory_space<semaphore_mem>>) src(%dma_wait3A_112 : memref<6272xf32, #tpu.memory_space<hbm>>) dst(%arg6 : memref<6272xf32, #tpu.memory_space<vmem>>)
    %dma_wait3A_113 = arith.constant 2 : i32
    %dma_wait3A_114 = arith.constant 0 : i32
    %dma_wait3A_115 = tpu.memref_slice %arg2[%select_n3A, %dma_wait3A_113, %select_n3A_30, %dma_wait3A_114] : memref<4x8x8x6272xf32, #tpu.memory_space<hbm>> -> memref<1x1x1x6272xf32, #tpu.memory_space<hbm>>
    %dma_wait3A_116 = tpu.memref_squeeze %dma_wait3A_115 : memref<1x1x1x6272xf32, #tpu.memory_space<hbm>> -> memref<6272xf32, #tpu.memory_space<hbm>>
    %dma_wait3A_117 = arith.constant 0 : i32
    %dma_wait3A_118 = tpu.memref_slice %arg2[%select_n3A, %dma_wait3A_113, %select_n3A_30, %dma_wait3A_117] : memref<4x8x8x6272xf32, #tpu.memory_space<hbm>> -> memref<1x1x1x6272xf32, #tpu.memory_space<hbm>>
    %dma_wait3A_119 = tpu.memref_squeeze %dma_wait3A_118 : memref<1x1x1x6272xf32, #tpu.memory_space<hbm>> -> memref<6272xf32, #tpu.memory_space<hbm>>
    tpu.wait_dma2 semaphore(%arg22 : memref<!tpu.dma_semaphore, #tpu.memory_space<semaphore_mem>>) src(%dma_wait3A_119 : memref<6272xf32, #tpu.memory_space<hbm>>) dst(%arg7 : memref<6272xf32, #tpu.memory_space<vmem>>)
    %dma_wait3A_120 = arith.constant 3 : i32
    %dma_wait3A_121 = arith.constant 0 : i32
    %dma_wait3A_122 = tpu.memref_slice %arg2[%select_n3A, %dma_wait3A_120, %select_n3A_30, %dma_wait3A_121] : memref<4x8x8x6272xf32, #tpu.memory_space<hbm>> -> memref<1x1x1x6272xf32, #tpu.memory_space<hbm>>
    %dma_wait3A_123 = tpu.memref_squeeze %dma_wait3A_122 : memref<1x1x1x6272xf32, #tpu.memory_space<hbm>> -> memref<6272xf32, #tpu.memory_space<hbm>>
    %dma_wait3A_124 = arith.constant 0 : i32
    %dma_wait3A_125 = tpu.memref_slice %arg2[%select_n3A, %dma_wait3A_120, %select_n3A_30, %dma_wait3A_124] : memref<4x8x8x6272xf32, #tpu.memory_space<hbm>> -> memref<1x1x1x6272xf32, #tpu.memory_space<hbm>>
    %dma_wait3A_126 = tpu.memref_squeeze %dma_wait3A_125 : memref<1x1x1x6272xf32, #tpu.memory_space<hbm>> -> memref<6272xf32, #tpu.memory_space<hbm>>
    tpu.wait_dma2 semaphore(%arg22 : memref<!tpu.dma_semaphore, #tpu.memory_space<semaphore_mem>>) src(%dma_wait3A_126 : memref<6272xf32, #tpu.memory_space<hbm>>) dst(%arg8 : memref<6272xf32, #tpu.memory_space<vmem>>)
    %dma_wait3A_127 = arith.constant 4 : i32
    %dma_wait3A_128 = arith.constant 0 : i32
    %dma_wait3A_129 = tpu.memref_slice %arg2[%select_n3A, %dma_wait3A_127, %select_n3A_30, %dma_wait3A_128] : memref<4x8x8x6272xf32, #tpu.memory_space<hbm>> -> memref<1x1x1x6272xf32, #tpu.memory_space<hbm>>
    %dma_wait3A_130 = tpu.memref_squeeze %dma_wait3A_129 : memref<1x1x1x6272xf32, #tpu.memory_space<hbm>> -> memref<6272xf32, #tpu.memory_space<hbm>>
    %dma_wait3A_131 = arith.constant 0 : i32
    %dma_wait3A_132 = tpu.memref_slice %arg2[%select_n3A, %dma_wait3A_127, %select_n3A_30, %dma_wait3A_131] : memref<4x8x8x6272xf32, #tpu.memory_space<hbm>> -> memref<1x1x1x6272xf32, #tpu.memory_space<hbm>>
    %dma_wait3A_133 = tpu.memref_squeeze %dma_wait3A_132 : memref<1x1x1x6272xf32, #tpu.memory_space<hbm>> -> memref<6272xf32, #tpu.memory_space<hbm>>
    tpu.wait_dma2 semaphore(%arg22 : memref<!tpu.dma_semaphore, #tpu.memory_space<semaphore_mem>>) src(%dma_wait3A_133 : memref<6272xf32, #tpu.memory_space<hbm>>) dst(%arg9 : memref<6272xf32, #tpu.memory_space<vmem>>)
    %dma_wait3A_134 = arith.constant 5 : i32
    %dma_wait3A_135 = arith.constant 0 : i32
    %dma_wait3A_136 = tpu.memref_slice %arg2[%select_n3A, %dma_wait3A_134, %select_n3A_30, %dma_wait3A_135] : memref<4x8x8x6272xf32, #tpu.memory_space<hbm>> -> memref<1x1x1x6272xf32, #tpu.memory_space<hbm>>
    %dma_wait3A_137 = tpu.memref_squeeze %dma_wait3A_136 : memref<1x1x1x6272xf32, #tpu.memory_space<hbm>> -> memref<6272xf32, #tpu.memory_space<hbm>>
    %dma_wait3A_138 = arith.constant 0 : i32
    %dma_wait3A_139 = tpu.memref_slice %arg2[%select_n3A, %dma_wait3A_134, %select_n3A_30, %dma_wait3A_138] : memref<4x8x8x6272xf32, #tpu.memory_space<hbm>> -> memref<1x1x1x6272xf32, #tpu.memory_space<hbm>>
    %dma_wait3A_140 = tpu.memref_squeeze %dma_wait3A_139 : memref<1x1x1x6272xf32, #tpu.memory_space<hbm>> -> memref<6272xf32, #tpu.memory_space<hbm>>
    tpu.wait_dma2 semaphore(%arg22 : memref<!tpu.dma_semaphore, #tpu.memory_space<semaphore_mem>>) src(%dma_wait3A_140 : memref<6272xf32, #tpu.memory_space<hbm>>) dst(%arg10 : memref<6272xf32, #tpu.memory_space<vmem>>)
    %dma_wait3A_141 = arith.constant 6 : i32
    %dma_wait3A_142 = arith.constant 0 : i32
    %dma_wait3A_143 = tpu.memref_slice %arg2[%select_n3A, %dma_wait3A_141, %select_n3A_30, %dma_wait3A_142] : memref<4x8x8x6272xf32, #tpu.memory_space<hbm>> -> memref<1x1x1x6272xf32, #tpu.memory_space<hbm>>
    %dma_wait3A_144 = tpu.memref_squeeze %dma_wait3A_143 : memref<1x1x1x6272xf32, #tpu.memory_space<hbm>> -> memref<6272xf32, #tpu.memory_space<hbm>>
    %dma_wait3A_145 = arith.constant 0 : i32
    %dma_wait3A_146 = tpu.memref_slice %arg2[%select_n3A, %dma_wait3A_141, %select_n3A_30, %dma_wait3A_145] : memref<4x8x8x6272xf32, #tpu.memory_space<hbm>> -> memref<1x1x1x6272xf32, #tpu.memory_space<hbm>>
    %dma_wait3A_147 = tpu.memref_squeeze %dma_wait3A_146 : memref<1x1x1x6272xf32, #tpu.memory_space<hbm>> -> memref<6272xf32, #tpu.memory_space<hbm>>
    tpu.wait_dma2 semaphore(%arg22 : memref<!tpu.dma_semaphore, #tpu.memory_space<semaphore_mem>>) src(%dma_wait3A_147 : memref<6272xf32, #tpu.memory_space<hbm>>) dst(%arg11 : memref<6272xf32, #tpu.memory_space<vmem>>)
    %dma_wait3A_148 = arith.constant 7 : i32
    %dma_wait3A_149 = arith.constant 0 : i32
    %dma_wait3A_150 = tpu.memref_slice %arg2[%select_n3A, %dma_wait3A_148, %select_n3A_30, %dma_wait3A_149] : memref<4x8x8x6272xf32, #tpu.memory_space<hbm>> -> memref<1x1x1x6272xf32, #tpu.memory_space<hbm>>
    %dma_wait3A_151 = tpu.memref_squeeze %dma_wait3A_150 : memref<1x1x1x6272xf32, #tpu.memory_space<hbm>> -> memref<6272xf32, #tpu.memory_space<hbm>>
    %dma_wait3A_152 = arith.constant 0 : i32
    %dma_wait3A_153 = tpu.memref_slice %arg2[%select_n3A, %dma_wait3A_148, %select_n3A_30, %dma_wait3A_152] : memref<4x8x8x6272xf32, #tpu.memory_space<hbm>> -> memref<1x1x1x6272xf32, #tpu.memory_space<hbm>>
    %dma_wait3A_154 = tpu.memref_squeeze %dma_wait3A_153 : memref<1x1x1x6272xf32, #tpu.memory_space<hbm>> -> memref<6272xf32, #tpu.memory_space<hbm>>
    tpu.wait_dma2 semaphore(%arg22 : memref<!tpu.dma_semaphore, #tpu.memory_space<semaphore_mem>>) src(%dma_wait3A_154 : memref<6272xf32, #tpu.memory_space<hbm>>) dst(%arg12 : memref<6272xf32, #tpu.memory_space<vmem>>)
    %dma_wait3A_155 = arith.constant 0 : i32
    %dma_wait3A_156 = tpu.memref_slice %arg3[%select_n3A, %select_n3A_30, %dma_wait3A_155] : memref<4x8x6272xi32, #tpu.memory_space<hbm>> -> memref<1x1x6272xi32, #tpu.memory_space<hbm>>
    %dma_wait3A_157 = tpu.memref_squeeze %dma_wait3A_156 : memref<1x1x6272xi32, #tpu.memory_space<hbm>> -> memref<6272xi32, #tpu.memory_space<hbm>>
    %dma_wait3A_158 = arith.constant 0 : i32
    %dma_wait3A_159 = tpu.memref_slice %arg3[%select_n3A, %select_n3A_30, %dma_wait3A_158] : memref<4x8x6272xi32, #tpu.memory_space<hbm>> -> memref<1x1x6272xi32, #tpu.memory_space<hbm>>
    %dma_wait3A_160 = tpu.memref_squeeze %dma_wait3A_159 : memref<1x1x6272xi32, #tpu.memory_space<hbm>> -> memref<6272xi32, #tpu.memory_space<hbm>>
    tpu.wait_dma2 semaphore(%arg22 : memref<!tpu.dma_semaphore, #tpu.memory_space<semaphore_mem>>) src(%dma_wait3A_160 : memref<6272xi32, #tpu.memory_space<hbm>>) dst(%arg13 : memref<6272xi32, #tpu.memory_space<vmem>>)
    %multiple_of3A = arith.constant 0 : i32
    %multiple_of3A_161 = tpu.assume_multiple %multiple_of3A, 16 : i32
    %get3A = arith.index_cast %multiple_of3A_161 : i32 to index
    %get3A_162 = tpu.vector_load %arg5[%get3A] {strides = array<i32>} : memref<6272xf32, #tpu.memory_space<vmem>>, vector<16xf32>,
    %get3A_163 = arith.index_cast %multiple_of3A_161 : i32 to index
    %get3A_164 = tpu.vector_load %arg6[%get3A_163] {strides = array<i32>} : memref<6272xf32, #tpu.memory_space<vmem>>, vector<16xf32>,
    %get3A_165 = arith.index_cast %multiple_of3A_161 : i32 to index
    %get3A_166 = tpu.vector_load %arg7[%get3A_165] {strides = array<i32>} : memref<6272xf32, #tpu.memory_space<vmem>>, vector<16xf32>,
    %get3A_167 = arith.index_cast %multiple_of3A_161 : i32 to index
    %get3A_168 = tpu.vector_load %arg8[%get3A_167] {strides = array<i32>} : memref<6272xf32, #tpu.memory_space<vmem>>, vector<16xf32>,
    %get3A_169 = arith.index_cast %multiple_of3A_161 : i32 to index
    %get3A_170 = tpu.vector_load %arg9[%get3A_169] {strides = array<i32>} : memref<6272xf32, #tpu.memory_space<vmem>>, vector<16xf32>,
    %get3A_171 = arith.index_cast %multiple_of3A_161 : i32 to index
    %get3A_172 = tpu.vector_load %arg10[%get3A_171] {strides = array<i32>} : memref<6272xf32, #tpu.memory_space<vmem>>, vector<16xf32>,
    %get3A_173 = arith.index_cast %multiple_of3A_161 : i32 to index
    %get3A_174 = tpu.vector_load %arg11[%get3A_173] {strides = array<i32>} : memref<6272xf32, #tpu.memory_space<vmem>>, vector<16xf32>,
    %get3A_175 = arith.index_cast %multiple_of3A_161 : i32 to index
    %get3A_176 = tpu.vector_load %arg12[%get3A_175] {strides = array<i32>} : memref<6272xf32, #tpu.memory_space<vmem>>, vector<16xf32>,
    %get3A_177 = arith.index_cast %multiple_of3A_161 : i32 to index
    %get3A_178 = tpu.vector_load %arg13[%get3A_177] {strides = array<i32>} : memref<6272xi32, #tpu.memory_space<vmem>>, vector<16xi32>,
    %scan3A_179 = arith.constant 2.047500e+03 : f32
    %scan3A_180 = arith.constant 0 : i32
    %scan3A_181 = arith.constant 391 : i32
    %scan3A_182 = arith.addi %scan3A_180, %scan3A_181 : i32
    %scan3A_183 = arith.constant 1 : i32
    %scan3A_184:9 = scf.for %scan3A_292 = %scan3A_180 to %scan3A_182 step %scan3A_183 iter_args(%scan3A_293 = %get3A_162, %scan3A_294 = %get3A_164, %scan3A_295 = %get3A_166, %scan3A_296 = %get3A_168, %scan3A_297 = %get3A_170, %scan3A_298 = %get3A_172, %scan3A_299 = %get3A_174, %scan3A_300 = %get3A_176, %scan3A_301 = %get3A_178) -> (vector<16xf32>, vector<16xf32>, vector<16xf32>, vector<16xf32>, vector<16xf32>, vector<16xf32>, vector<16xf32>, vector<16xf32>, vector<16xi32>)  : i32 {
      %add3A_302 = arith.constant 1 : i32
      %add3A_303 = arith.addi %scan3A_292, %add3A_302 : i32
      %mul3A_304 = arith.constant 16 : i32
      %mul3A_305 = arith.muli %add3A_303, %mul3A_304 : i32
      %multiple_of3A_306 = tpu.assume_multiple %mul3A_305, 16 : i32
      %get3A_307 = arith.index_cast %multiple_of3A_306 : i32 to index
      %get3A_308 = tpu.vector_load %arg5[%get3A_307] {strides = array<i32>} : memref<6272xf32, #tpu.memory_space<vmem>>, vector<16xf32>,
      %get3A_309 = arith.index_cast %multiple_of3A_306 : i32 to index
      %get3A_310 = tpu.vector_load %arg6[%get3A_309] {strides = array<i32>} : memref<6272xf32, #tpu.memory_space<vmem>>, vector<16xf32>,
      %get3A_311 = arith.index_cast %multiple_of3A_306 : i32 to index
      %get3A_312 = tpu.vector_load %arg7[%get3A_311] {strides = array<i32>} : memref<6272xf32, #tpu.memory_space<vmem>>, vector<16xf32>,
      %get3A_313 = arith.index_cast %multiple_of3A_306 : i32 to index
      %get3A_314 = tpu.vector_load %arg8[%get3A_313] {strides = array<i32>} : memref<6272xf32, #tpu.memory_space<vmem>>, vector<16xf32>,
      %get3A_315 = arith.index_cast %multiple_of3A_306 : i32 to index
      %get3A_316 = tpu.vector_load %arg9[%get3A_315] {strides = array<i32>} : memref<6272xf32, #tpu.memory_space<vmem>>, vector<16xf32>,
      %get3A_317 = arith.index_cast %multiple_of3A_306 : i32 to index
      %get3A_318 = tpu.vector_load %arg10[%get3A_317] {strides = array<i32>} : memref<6272xf32, #tpu.memory_space<vmem>>, vector<16xf32>,
      %get3A_319 = arith.index_cast %multiple_of3A_306 : i32 to index
      %get3A_320 = tpu.vector_load %arg11[%get3A_319] {strides = array<i32>} : memref<6272xf32, #tpu.memory_space<vmem>>, vector<16xf32>,
      %get3A_321 = arith.index_cast %multiple_of3A_306 : i32 to index
      %get3A_322 = tpu.vector_load %arg12[%get3A_321] {strides = array<i32>} : memref<6272xf32, #tpu.memory_space<vmem>>, vector<16xf32>,
      %get3A_323 = arith.index_cast %multiple_of3A_306 : i32 to index
      %get3A_324 = tpu.vector_load %arg13[%get3A_323] {strides = array<i32>} : memref<6272xi32, #tpu.memory_space<vmem>>, vector<16xi32>,
      %exp3A_325 = math.exp %scan3A_293 : vector<16xf32>
      %exp3A_326 = math.exp %scan3A_294 : vector<16xf32>
      %exp3A_327 = math.exp %scan3A_295 : vector<16xf32>
      %exp3A_328 = math.exp %scan3A_296 : vector<16xf32>
      %exp3A_329 = math.exp %scan3A_297 : vector<16xf32>
      %exp3A_330 = math.exp %scan3A_298 : vector<16xf32>
      %exp3A_331 = math.exp %scan3A_299 : vector<16xf32>
      %exp3A_332 = math.exp %scan3A_300 : vector<16xf32>
      %add3A_333 = arith.addf %exp3A_325, %exp3A_326 : vector<16xf32>
      %add3A_334 = arith.addf %exp3A_327, %exp3A_328 : vector<16xf32>
      %add3A_335 = arith.addf %exp3A_329, %exp3A_330 : vector<16xf32>
      %add3A_336 = arith.addf %exp3A_331, %exp3A_332 : vector<16xf32>
      %add3A_337 = arith.addf %add3A_333, %add3A_334 : vector<16xf32>
      %add3A_338 = arith.addf %add3A_335, %add3A_336 : vector<16xf32>
      %add3A_339 = arith.addf %add3A_337, %add3A_338 : vector<16xf32>
      %div3A_340 = vector.broadcast %scan3A_179 : f32 to vector<16xf32>
      %div3A_341 = arith.divf %div3A_340, %add3A_339 : vector<16xf32>
      %mul3A_342 = arith.mulf %exp3A_325, %div3A_341 : vector<16xf32>
      %mul3A_343 = arith.mulf %exp3A_326, %div3A_341 : vector<16xf32>
      %mul3A_344 = arith.mulf %exp3A_327, %div3A_341 : vector<16xf32>
      %mul3A_345 = arith.mulf %exp3A_328, %div3A_341 : vector<16xf32>
      %mul3A_346 = arith.mulf %exp3A_329, %div3A_341 : vector<16xf32>
      %mul3A_347 = arith.mulf %exp3A_330, %div3A_341 : vector<16xf32>
      %mul3A_348 = arith.mulf %exp3A_331, %div3A_341 : vector<16xf32>
      %mul3A_349 = arith.mulf %exp3A_332, %div3A_341 : vector<16xf32>
      %convert_element_type3A_350 = arith.fptosi %mul3A_342 : vector<16xf32> to vector<16xi32>
      %convert_element_type3A_351 = arith.fptosi %mul3A_343 : vector<16xf32> to vector<16xi32>
      %convert_element_type3A_352 = arith.fptosi %mul3A_344 : vector<16xf32> to vector<16xi32>
      %convert_element_type3A_353 = arith.fptosi %mul3A_345 : vector<16xf32> to vector<16xi32>
      %convert_element_type3A_354 = arith.fptosi %mul3A_346 : vector<16xf32> to vector<16xi32>
      %convert_element_type3A_355 = arith.fptosi %mul3A_347 : vector<16xf32> to vector<16xi32>
      %convert_element_type3A_356 = arith.fptosi %mul3A_348 : vector<16xf32> to vector<16xi32>
      %convert_element_type3A_357 = arith.fptosi %mul3A_349 : vector<16xf32> to vector<16xi32>
      %eq3A_358 = arith.constant 0 : i32
      %eq3A_359 = vector.broadcast %eq3A_358 : i32 to vector<16xi32>
      %eq3A_360 = arith.cmpi eq, %scan3A_301, %eq3A_359 : vector<16xi32>
      %eq3A_361 = arith.constant 1 : i32
      %eq3A_362 = vector.broadcast %eq3A_361 : i32 to vector<16xi32>
      %eq3A_363 = arith.cmpi eq, %scan3A_301, %eq3A_362 : vector<16xi32>
      %eq3A_364 = arith.constant 2 : i32
      %eq3A_365 = vector.broadcast %eq3A_364 : i32 to vector<16xi32>
      %eq3A_366 = arith.cmpi eq, %scan3A_301, %eq3A_365 : vector<16xi32>
      %eq3A_367 = arith.constant 3 : i32
      %eq3A_368 = vector.broadcast %eq3A_367 : i32 to vector<16xi32>
      %eq3A_369 = arith.cmpi eq, %scan3A_301, %eq3A_368 : vector<16xi32>
      %eq3A_370 = arith.constant 4 : i32
      %eq3A_371 = vector.broadcast %eq3A_370 : i32 to vector<16xi32>
      %eq3A_372 = arith.cmpi eq, %scan3A_301, %eq3A_371 : vector<16xi32>
      %eq3A_373 = arith.constant 5 : i32
      %eq3A_374 = vector.broadcast %eq3A_373 : i32 to vector<16xi32>
      %eq3A_375 = arith.cmpi eq, %scan3A_301, %eq3A_374 : vector<16xi32>
      %eq3A_376 = arith.constant 6 : i32
      %eq3A_377 = vector.broadcast %eq3A_376 : i32 to vector<16xi32>
      %eq3A_378 = arith.cmpi eq, %scan3A_301, %eq3A_377 : vector<16xi32>
      %eq3A_379 = arith.constant 7 : i32
      %eq3A_380 = vector.broadcast %eq3A_379 : i32 to vector<16xi32>
      %eq3A_381 = arith.cmpi eq, %scan3A_301, %eq3A_380 : vector<16xi32>
      %add3A_382 = arith.constant 2048 : i32
      %add3A_383 = vector.broadcast %add3A_382 : i32 to vector<16xi32>
      %add3A_384 = arith.addi %convert_element_type3A_350, %add3A_383 : vector<16xi32>
      %add3A_385 = arith.constant 2048 : i32
      %add3A_386 = vector.broadcast %add3A_385 : i32 to vector<16xi32>
      %add3A_387 = arith.addi %convert_element_type3A_351, %add3A_386 : vector<16xi32>
      %add3A_388 = arith.constant 2048 : i32
      %add3A_389 = vector.broadcast %add3A_388 : i32 to vector<16xi32>
      %add3A_390 = arith.addi %convert_element_type3A_352, %add3A_389 : vector<16xi32>
      %add3A_391 = arith.constant 2048 : i32
      %add3A_392 = vector.broadcast %add3A_391 : i32 to vector<16xi32>
      %add3A_393 = arith.addi %convert_element_type3A_353, %add3A_392 : vector<16xi32>
      %add3A_394 = arith.constant 2048 : i32
      %add3A_395 = vector.broadcast %add3A_394 : i32 to vector<16xi32>
      %add3A_396 = arith.addi %convert_element_type3A_354, %add3A_395 : vector<16xi32>
      %add3A_397 = arith.constant 2048 : i32
      %add3A_398 = vector.broadcast %add3A_397 : i32 to vector<16xi32>
      %add3A_399 = arith.addi %convert_element_type3A_355, %add3A_398 : vector<16xi32>
      %add3A_400 = arith.constant 2048 : i32
      %add3A_401 = vector.broadcast %add3A_400 : i32 to vector<16xi32>
      %add3A_402 = arith.addi %convert_element_type3A_356, %add3A_401 : vector<16xi32>
      %add3A_403 = arith.constant 2048 : i32
      %add3A_404 = vector.broadcast %add3A_403 : i32 to vector<16xi32>
      %add3A_405 = arith.addi %convert_element_type3A_357, %add3A_404 : vector<16xi32>
      %select_n3A_406 = arith.select %eq3A_360, %add3A_384, %convert_element_type3A_350 : vector<16xi1>, vector<16xi32>
      %select_n3A_407 = arith.select %eq3A_363, %add3A_387, %convert_element_type3A_351 : vector<16xi1>, vector<16xi32>
      %select_n3A_408 = arith.select %eq3A_366, %add3A_390, %convert_element_type3A_352 : vector<16xi1>, vector<16xi32>
      %select_n3A_409 = arith.select %eq3A_369, %add3A_393, %convert_element_type3A_353 : vector<16xi1>, vector<16xi32>
      %select_n3A_410 = arith.select %eq3A_372, %add3A_396, %convert_element_type3A_354 : vector<16xi1>, vector<16xi32>
      %select_n3A_411 = arith.select %eq3A_375, %add3A_399, %convert_element_type3A_355 : vector<16xi1>, vector<16xi32>
      %select_n3A_412 = arith.select %eq3A_378, %add3A_402, %convert_element_type3A_356 : vector<16xi1>, vector<16xi32>
      %select_n3A_413 = arith.select %eq3A_381, %add3A_405, %convert_element_type3A_357 : vector<16xi1>, vector<16xi32>
      tpu.vector_store_idx %arg14[%select_n3A_406], %broadcast_in_dim3A_94 {add = true} : memref<4096xf32, #tpu.memory_space<vmem>>[vector<16xi32>], vector<16xf32>,
      tpu.vector_store_idx %arg15[%select_n3A_407], %broadcast_in_dim3A_94 {add = true} : memref<4096xf32, #tpu.memory_space<vmem>>[vector<16xi32>], vector<16xf32>,
      tpu.vector_store_idx %arg16[%select_n3A_408], %broadcast_in_dim3A_94 {add = true} : memref<4096xf32, #tpu.memory_space<vmem>>[vector<16xi32>], vector<16xf32>,
      tpu.vector_store_idx %arg17[%select_n3A_409], %broadcast_in_dim3A_94 {add = true} : memref<4096xf32, #tpu.memory_space<vmem>>[vector<16xi32>], vector<16xf32>,
      tpu.vector_store_idx %arg18[%select_n3A_410], %broadcast_in_dim3A_94 {add = true} : memref<4096xf32, #tpu.memory_space<vmem>>[vector<16xi32>], vector<16xf32>,
      tpu.vector_store_idx %arg19[%select_n3A_411], %broadcast_in_dim3A_94 {add = true} : memref<4096xf32, #tpu.memory_space<vmem>>[vector<16xi32>], vector<16xf32>,
      tpu.vector_store_idx %arg20[%select_n3A_412], %broadcast_in_dim3A_94 {add = true} : memref<4096xf32, #tpu.memory_space<vmem>>[vector<16xi32>], vector<16xf32>,
      tpu.vector_store_idx %arg21[%select_n3A_413], %broadcast_in_dim3A_94 {add = true} : memref<4096xf32, #tpu.memory_space<vmem>>[vector<16xi32>], vector<16xf32>,
      scf.yield %get3A_308, %get3A_310, %get3A_312, %get3A_314, %get3A_316, %get3A_318, %get3A_320, %get3A_322, %get3A_324 : vector<16xf32>, vector<16xf32>, vector<16xf32>, vector<16xf32>, vector<16xf32>, vector<16xf32>, vector<16xf32>, vector<16xf32>, vector<16xi32>
    }
    %scan3A_185 = arith.constant 391 : i32
    %exp3A = math.exp %scan3A_184#0 : vector<16xf32>
    %exp3A_186 = math.exp %scan3A_184#1 : vector<16xf32>
    %exp3A_187 = math.exp %scan3A_184#2 : vector<16xf32>
    %exp3A_188 = math.exp %scan3A_184#3 : vector<16xf32>
    %exp3A_189 = math.exp %scan3A_184#4 : vector<16xf32>
    %exp3A_190 = math.exp %scan3A_184#5 : vector<16xf32>
    %exp3A_191 = math.exp %scan3A_184#6 : vector<16xf32>
    %exp3A_192 = math.exp %scan3A_184#7 : vector<16xf32>
    %add3A_193 = arith.addf %exp3A, %exp3A_186 : vector<16xf32>
    %add3A_194 = arith.addf %exp3A_187, %exp3A_188 : vector<16xf32>
    %add3A_195 = arith.addf %exp3A_189, %exp3A_190 : vector<16xf32>
    %add3A_196 = arith.addf %exp3A_191, %exp3A_192 : vector<16xf32>
    %add3A_197 = arith.addf %add3A_193, %add3A_194 : vector<16xf32>
    %add3A_198 = arith.addf %add3A_195, %add3A_196 : vector<16xf32>
    %add3A_199 = arith.addf %add3A_197, %add3A_198 : vector<16xf32>
    %div3A_200 = arith.constant 2.047500e+03 : f32
    %div3A_201 = vector.broadcast %div3A_200 : f32 to vector<16xf32>
    %div3A_202 = arith.divf %div3A_201, %add3A_199 : vector<16xf32>
    %mul3A_203 = arith.mulf %exp3A, %div3A_202 : vector<16xf32>
    %mul3A_204 = arith.mulf %exp3A_186, %div3A_202 : vector<16xf32>
    %mul3A_205 = arith.mulf %exp3A_187, %div3A_202 : vector<16xf32>
    %mul3A_206 = arith.mulf %exp3A_188, %div3A_202 : vector<16xf32>
    %mul3A_207 = arith.mulf %exp3A_189, %div3A_202 : vector<16xf32>
    %mul3A_208 = arith.mulf %exp3A_190, %div3A_202 : vector<16xf32>
    %mul3A_209 = arith.mulf %exp3A_191, %div3A_202 : vector<16xf32>
    %mul3A_210 = arith.mulf %exp3A_192, %div3A_202 : vector<16xf32>
    %convert_element_type3A = arith.fptosi %mul3A_203 : vector<16xf32> to vector<16xi32>
    %convert_element_type3A_211 = arith.fptosi %mul3A_204 : vector<16xf32> to vector<16xi32>
    %convert_element_type3A_212 = arith.fptosi %mul3A_205 : vector<16xf32> to vector<16xi32>
    %convert_element_type3A_213 = arith.fptosi %mul3A_206 : vector<16xf32> to vector<16xi32>
    %convert_element_type3A_214 = arith.fptosi %mul3A_207 : vector<16xf32> to vector<16xi32>
    %convert_element_type3A_215 = arith.fptosi %mul3A_208 : vector<16xf32> to vector<16xi32>
    %convert_element_type3A_216 = arith.fptosi %mul3A_209 : vector<16xf32> to vector<16xi32>
    %convert_element_type3A_217 = arith.fptosi %mul3A_210 : vector<16xf32> to vector<16xi32>
    %eq3A_218 = arith.constant 0 : i32
    %eq3A_219 = vector.broadcast %eq3A_218 : i32 to vector<16xi32>
    %eq3A_220 = arith.cmpi eq, %scan3A_184#8, %eq3A_219 : vector<16xi32>
    %eq3A_221 = arith.constant 1 : i32
    %eq3A_222 = vector.broadcast %eq3A_221 : i32 to vector<16xi32>
    %eq3A_223 = arith.cmpi eq, %scan3A_184#8, %eq3A_222 : vector<16xi32>
    %eq3A_224 = arith.constant 2 : i32
    %eq3A_225 = vector.broadcast %eq3A_224 : i32 to vector<16xi32>
    %eq3A_226 = arith.cmpi eq, %scan3A_184#8, %eq3A_225 : vector<16xi32>
    %eq3A_227 = arith.constant 3 : i32
    %eq3A_228 = vector.broadcast %eq3A_227 : i32 to vector<16xi32>
    %eq3A_229 = arith.cmpi eq, %scan3A_184#8, %eq3A_228 : vector<16xi32>
    %eq3A_230 = arith.constant 4 : i32
    %eq3A_231 = vector.broadcast %eq3A_230 : i32 to vector<16xi32>
    %eq3A_232 = arith.cmpi eq, %scan3A_184#8, %eq3A_231 : vector<16xi32>
    %eq3A_233 = arith.constant 5 : i32
    %eq3A_234 = vector.broadcast %eq3A_233 : i32 to vector<16xi32>
    %eq3A_235 = arith.cmpi eq, %scan3A_184#8, %eq3A_234 : vector<16xi32>
    %eq3A_236 = arith.constant 6 : i32
    %eq3A_237 = vector.broadcast %eq3A_236 : i32 to vector<16xi32>
    %eq3A_238 = arith.cmpi eq, %scan3A_184#8, %eq3A_237 : vector<16xi32>
    %eq3A_239 = arith.constant 7 : i32
    %eq3A_240 = vector.broadcast %eq3A_239 : i32 to vector<16xi32>
    %eq3A_241 = arith.cmpi eq, %scan3A_184#8, %eq3A_240 : vector<16xi32>
    %add3A_242 = arith.constant 2048 : i32
    %add3A_243 = vector.broadcast %add3A_242 : i32 to vector<16xi32>
    %add3A_244 = arith.addi %convert_element_type3A, %add3A_243 : vector<16xi32>
    %add3A_245 = arith.constant 2048 : i32
    %add3A_246 = vector.broadcast %add3A_245 : i32 to vector<16xi32>
    %add3A_247 = arith.addi %convert_element_type3A_211, %add3A_246 : vector<16xi32>
    %add3A_248 = arith.constant 2048 : i32
    %add3A_249 = vector.broadcast %add3A_248 : i32 to vector<16xi32>
    %add3A_250 = arith.addi %convert_element_type3A_212, %add3A_249 : vector<16xi32>
    %add3A_251 = arith.constant 2048 : i32
    %add3A_252 = vector.broadcast %add3A_251 : i32 to vector<16xi32>
    %add3A_253 = arith.addi %convert_element_type3A_213, %add3A_252 : vector<16xi32>
    %add3A_254 = arith.constant 2048 : i32
    %add3A_255 = vector.broadcast %add3A_254 : i32 to vector<16xi32>
    %add3A_256 = arith.addi %convert_element_type3A_214, %add3A_255 : vector<16xi32>
    %add3A_257 = arith.constant 2048 : i32
    %add3A_258 = vector.broadcast %add3A_257 : i32 to vector<16xi32>
    %add3A_259 = arith.addi %convert_element_type3A_215, %add3A_258 : vector<16xi32>
    %add3A_260 = arith.constant 2048 : i32
    %add3A_261 = vector.broadcast %add3A_260 : i32 to vector<16xi32>
    %add3A_262 = arith.addi %convert_element_type3A_216, %add3A_261 : vector<16xi32>
    %add3A_263 = arith.constant 2048 : i32
    %add3A_264 = vector.broadcast %add3A_263 : i32 to vector<16xi32>
    %add3A_265 = arith.addi %convert_element_type3A_217, %add3A_264 : vector<16xi32>
    %select_n3A_266 = arith.select %eq3A_220, %add3A_244, %convert_element_type3A : vector<16xi1>, vector<16xi32>
    %select_n3A_267 = arith.select %eq3A_223, %add3A_247, %convert_element_type3A_211 : vector<16xi1>, vector<16xi32>
    %select_n3A_268 = arith.select %eq3A_226, %add3A_250, %convert_element_type3A_212 : vector<16xi1>, vector<16xi32>
    %select_n3A_269 = arith.select %eq3A_229, %add3A_253, %convert_element_type3A_213 : vector<16xi1>, vector<16xi32>
    %select_n3A_270 = arith.select %eq3A_232, %add3A_256, %convert_element_type3A_214 : vector<16xi1>, vector<16xi32>
    %select_n3A_271 = arith.select %eq3A_235, %add3A_259, %convert_element_type3A_215 : vector<16xi1>, vector<16xi32>
    %select_n3A_272 = arith.select %eq3A_238, %add3A_262, %convert_element_type3A_216 : vector<16xi1>, vector<16xi32>
    %select_n3A_273 = arith.select %eq3A_241, %add3A_265, %convert_element_type3A_217 : vector<16xi1>, vector<16xi32>
    tpu.vector_store_idx %arg14[%select_n3A_266], %broadcast_in_dim3A_94 {add = true} : memref<4096xf32, #tpu.memory_space<vmem>>[vector<16xi32>], vector<16xf32>,
    tpu.vector_store_idx %arg15[%select_n3A_267], %broadcast_in_dim3A_94 {add = true} : memref<4096xf32, #tpu.memory_space<vmem>>[vector<16xi32>], vector<16xf32>,
    tpu.vector_store_idx %arg16[%select_n3A_268], %broadcast_in_dim3A_94 {add = true} : memref<4096xf32, #tpu.memory_space<vmem>>[vector<16xi32>], vector<16xf32>,
    tpu.vector_store_idx %arg17[%select_n3A_269], %broadcast_in_dim3A_94 {add = true} : memref<4096xf32, #tpu.memory_space<vmem>>[vector<16xi32>], vector<16xf32>,
    tpu.vector_store_idx %arg18[%select_n3A_270], %broadcast_in_dim3A_94 {add = true} : memref<4096xf32, #tpu.memory_space<vmem>>[vector<16xi32>], vector<16xf32>,
    tpu.vector_store_idx %arg19[%select_n3A_271], %broadcast_in_dim3A_94 {add = true} : memref<4096xf32, #tpu.memory_space<vmem>>[vector<16xi32>], vector<16xf32>,
    tpu.vector_store_idx %arg20[%select_n3A_272], %broadcast_in_dim3A_94 {add = true} : memref<4096xf32, #tpu.memory_space<vmem>>[vector<16xi32>], vector<16xf32>,
    tpu.vector_store_idx %arg21[%select_n3A_273], %broadcast_in_dim3A_94 {add = true} : memref<4096xf32, #tpu.memory_space<vmem>>[vector<16xi32>], vector<16xf32>,
    %mul3A_274 = arith.constant 8 : i32
    %mul3A_275 = arith.muli %select_n3A, %mul3A_274 : i32
    %add3A_276 = arith.constant 0 : i32
    %add3A_277 = arith.addi %mul3A_275, %add3A_276 : i32
    "tpu.region"() ({
      %run_scoped3A = tpu.sem_alloc : memref<!tpu.dma_semaphore, #tpu.memory_space<semaphore_mem>>
      %dma_start3A_292 = arith.constant 0 : i32
      %dma_start3A_293 = tpu.memref_slice %arg4[%select_n3A_30, %add3A_277, %dma_start3A_292] : memref<8x32x4096xf32, #tpu.memory_space<hbm>> -> memref<1x1x4096xf32, #tpu.memory_space<hbm>>
      %dma_start3A_294 = tpu.memref_squeeze %dma_start3A_293 : memref<1x1x4096xf32, #tpu.memory_space<hbm>> -> memref<4096xf32, #tpu.memory_space<hbm>>
      %dma_start3A_295 = arith.constant 0 : i32
      %dma_start3A_296 = tpu.memref_slice %arg4[%select_n3A_30, %add3A_277, %dma_start3A_295] : memref<8x32x4096xf32, #tpu.memory_space<hbm>> -> memref<1x1x4096xf32, #tpu.memory_space<hbm>>
      %dma_start3A_297 = tpu.memref_squeeze %dma_start3A_296 : memref<1x1x4096xf32, #tpu.memory_space<hbm>> -> memref<4096xf32, #tpu.memory_space<hbm>>
      tpu.enqueue_dma source(%arg14 : memref<4096xf32, #tpu.memory_space<vmem>>) target(%dma_start3A_297 : memref<4096xf32, #tpu.memory_space<hbm>>) target_semaphore(%run_scoped3A : memref<!tpu.dma_semaphore, #tpu.memory_space<semaphore_mem>>)
      %dma_wait3A_298 = arith.constant 0 : i32
      %dma_wait3A_299 = tpu.memref_slice %arg4[%select_n3A_30, %add3A_277, %dma_wait3A_298] : memref<8x32x4096xf32, #tpu.memory_space<hbm>> -> memref<1x1x4096xf32, #tpu.memory_space<hbm>>
      %dma_wait3A_300 = tpu.memref_squeeze %dma_wait3A_299 : memref<1x1x4096xf32, #tpu.memory_space<hbm>> -> memref<4096xf32, #tpu.memory_space<hbm>>
      %dma_wait3A_301 = arith.constant 0 : i32
      %dma_wait3A_302 = tpu.memref_slice %arg4[%select_n3A_30, %add3A_277, %dma_wait3A_301] : memref<8x32x4096xf32, #tpu.memory_space<hbm>> -> memref<1x1x4096xf32, #tpu.memory_space<hbm>>
      %dma_wait3A_303 = tpu.memref_squeeze %dma_wait3A_302 : memref<1x1x4096xf32, #tpu.memory_space<hbm>> -> memref<4096xf32, #tpu.memory_space<hbm>>
      tpu.wait_dma2 semaphore(%run_scoped3A : memref<!tpu.dma_semaphore, #tpu.memory_space<semaphore_mem>>) src(%arg14 : memref<4096xf32, #tpu.memory_space<vmem>>) dst(%dma_wait3A_303 : memref<4096xf32, #tpu.memory_space<hbm>>)
      tpu.yield
    }) : () -> ()
    %add3A_278 = arith.constant 1 : i32
    %add3A_279 = arith.addi %mul3A_275, %add3A_278 : i32
    "tpu.region"() ({
      %run_scoped3A = tpu.sem_alloc : memref<!tpu.dma_semaphore, #tpu.memory_space<semaphore_mem>>
      %dma_start3A_292 = arith.constant 0 : i32
      %dma_start3A_293 = tpu.memref_slice %arg4[%select_n3A_30, %add3A_279, %dma_start3A_292] : memref<8x32x4096xf32, #tpu.memory_space<hbm>> -> memref<1x1x4096xf32, #tpu.memory_space<hbm>>
      %dma_start3A_294 = tpu.memref_squeeze %dma_start3A_293 : memref<1x1x4096xf32, #tpu.memory_space<hbm>> -> memref<4096xf32, #tpu.memory_space<hbm>>
      %dma_start3A_295 = arith.constant 0 : i32
      %dma_start3A_296 = tpu.memref_slice %arg4[%select_n3A_30, %add3A_279, %dma_start3A_295] : memref<8x32x4096xf32, #tpu.memory_space<hbm>> -> memref<1x1x4096xf32, #tpu.memory_space<hbm>>
      %dma_start3A_297 = tpu.memref_squeeze %dma_start3A_296 : memref<1x1x4096xf32, #tpu.memory_space<hbm>> -> memref<4096xf32, #tpu.memory_space<hbm>>
      tpu.enqueue_dma source(%arg15 : memref<4096xf32, #tpu.memory_space<vmem>>) target(%dma_start3A_297 : memref<4096xf32, #tpu.memory_space<hbm>>) target_semaphore(%run_scoped3A : memref<!tpu.dma_semaphore, #tpu.memory_space<semaphore_mem>>)
      %dma_wait3A_298 = arith.constant 0 : i32
      %dma_wait3A_299 = tpu.memref_slice %arg4[%select_n3A_30, %add3A_279, %dma_wait3A_298] : memref<8x32x4096xf32, #tpu.memory_space<hbm>> -> memref<1x1x4096xf32, #tpu.memory_space<hbm>>
      %dma_wait3A_300 = tpu.memref_squeeze %dma_wait3A_299 : memref<1x1x4096xf32, #tpu.memory_space<hbm>> -> memref<4096xf32, #tpu.memory_space<hbm>>
      %dma_wait3A_301 = arith.constant 0 : i32
      %dma_wait3A_302 = tpu.memref_slice %arg4[%select_n3A_30, %add3A_279, %dma_wait3A_301] : memref<8x32x4096xf32, #tpu.memory_space<hbm>> -> memref<1x1x4096xf32, #tpu.memory_space<hbm>>
      %dma_wait3A_303 = tpu.memref_squeeze %dma_wait3A_302 : memref<1x1x4096xf32, #tpu.memory_space<hbm>> -> memref<4096xf32, #tpu.memory_space<hbm>>
      tpu.wait_dma2 semaphore(%run_scoped3A : memref<!tpu.dma_semaphore, #tpu.memory_space<semaphore_mem>>) src(%arg15 : memref<4096xf32, #tpu.memory_space<vmem>>) dst(%dma_wait3A_303 : memref<4096xf32, #tpu.memory_space<hbm>>)
      tpu.yield
    }) : () -> ()
    %add3A_280 = arith.constant 2 : i32
    %add3A_281 = arith.addi %mul3A_275, %add3A_280 : i32
    "tpu.region"() ({
      %run_scoped3A = tpu.sem_alloc : memref<!tpu.dma_semaphore, #tpu.memory_space<semaphore_mem>>
      %dma_start3A_292 = arith.constant 0 : i32
      %dma_start3A_293 = tpu.memref_slice %arg4[%select_n3A_30, %add3A_281, %dma_start3A_292] : memref<8x32x4096xf32, #tpu.memory_space<hbm>> -> memref<1x1x4096xf32, #tpu.memory_space<hbm>>
      %dma_start3A_294 = tpu.memref_squeeze %dma_start3A_293 : memref<1x1x4096xf32, #tpu.memory_space<hbm>> -> memref<4096xf32, #tpu.memory_space<hbm>>
      %dma_start3A_295 = arith.constant 0 : i32
      %dma_start3A_296 = tpu.memref_slice %arg4[%select_n3A_30, %add3A_281, %dma_start3A_295] : memref<8x32x4096xf32, #tpu.memory_space<hbm>> -> memref<1x1x4096xf32, #tpu.memory_space<hbm>>
      %dma_start3A_297 = tpu.memref_squeeze %dma_start3A_296 : memref<1x1x4096xf32, #tpu.memory_space<hbm>> -> memref<4096xf32, #tpu.memory_space<hbm>>
      tpu.enqueue_dma source(%arg16 : memref<4096xf32, #tpu.memory_space<vmem>>) target(%dma_start3A_297 : memref<4096xf32, #tpu.memory_space<hbm>>) target_semaphore(%run_scoped3A : memref<!tpu.dma_semaphore, #tpu.memory_space<semaphore_mem>>)
      %dma_wait3A_298 = arith.constant 0 : i32
      %dma_wait3A_299 = tpu.memref_slice %arg4[%select_n3A_30, %add3A_281, %dma_wait3A_298] : memref<8x32x4096xf32, #tpu.memory_space<hbm>> -> memref<1x1x4096xf32, #tpu.memory_space<hbm>>
      %dma_wait3A_300 = tpu.memref_squeeze %dma_wait3A_299 : memref<1x1x4096xf32, #tpu.memory_space<hbm>> -> memref<4096xf32, #tpu.memory_space<hbm>>
      %dma_wait3A_301 = arith.constant 0 : i32
      %dma_wait3A_302 = tpu.memref_slice %arg4[%select_n3A_30, %add3A_281, %dma_wait3A_301] : memref<8x32x4096xf32, #tpu.memory_space<hbm>> -> memref<1x1x4096xf32, #tpu.memory_space<hbm>>
      %dma_wait3A_303 = tpu.memref_squeeze %dma_wait3A_302 : memref<1x1x4096xf32, #tpu.memory_space<hbm>> -> memref<4096xf32, #tpu.memory_space<hbm>>
      tpu.wait_dma2 semaphore(%run_scoped3A : memref<!tpu.dma_semaphore, #tpu.memory_space<semaphore_mem>>) src(%arg16 : memref<4096xf32, #tpu.memory_space<vmem>>) dst(%dma_wait3A_303 : memref<4096xf32, #tpu.memory_space<hbm>>)
      tpu.yield
    }) : () -> ()
    %add3A_282 = arith.constant 3 : i32
    %add3A_283 = arith.addi %mul3A_275, %add3A_282 : i32
    "tpu.region"() ({
      %run_scoped3A = tpu.sem_alloc : memref<!tpu.dma_semaphore, #tpu.memory_space<semaphore_mem>>
      %dma_start3A_292 = arith.constant 0 : i32
      %dma_start3A_293 = tpu.memref_slice %arg4[%select_n3A_30, %add3A_283, %dma_start3A_292] : memref<8x32x4096xf32, #tpu.memory_space<hbm>> -> memref<1x1x4096xf32, #tpu.memory_space<hbm>>
      %dma_start3A_294 = tpu.memref_squeeze %dma_start3A_293 : memref<1x1x4096xf32, #tpu.memory_space<hbm>> -> memref<4096xf32, #tpu.memory_space<hbm>>
      %dma_start3A_295 = arith.constant 0 : i32
      %dma_start3A_296 = tpu.memref_slice %arg4[%select_n3A_30, %add3A_283, %dma_start3A_295] : memref<8x32x4096xf32, #tpu.memory_space<hbm>> -> memref<1x1x4096xf32, #tpu.memory_space<hbm>>
      %dma_start3A_297 = tpu.memref_squeeze %dma_start3A_296 : memref<1x1x4096xf32, #tpu.memory_space<hbm>> -> memref<4096xf32, #tpu.memory_space<hbm>>
      tpu.enqueue_dma source(%arg17 : memref<4096xf32, #tpu.memory_space<vmem>>) target(%dma_start3A_297 : memref<4096xf32, #tpu.memory_space<hbm>>) target_semaphore(%run_scoped3A : memref<!tpu.dma_semaphore, #tpu.memory_space<semaphore_mem>>)
      %dma_wait3A_298 = arith.constant 0 : i32
      %dma_wait3A_299 = tpu.memref_slice %arg4[%select_n3A_30, %add3A_283, %dma_wait3A_298] : memref<8x32x4096xf32, #tpu.memory_space<hbm>> -> memref<1x1x4096xf32, #tpu.memory_space<hbm>>
      %dma_wait3A_300 = tpu.memref_squeeze %dma_wait3A_299 : memref<1x1x4096xf32, #tpu.memory_space<hbm>> -> memref<4096xf32, #tpu.memory_space<hbm>>
      %dma_wait3A_301 = arith.constant 0 : i32
      %dma_wait3A_302 = tpu.memref_slice %arg4[%select_n3A_30, %add3A_283, %dma_wait3A_301] : memref<8x32x4096xf32, #tpu.memory_space<hbm>> -> memref<1x1x4096xf32, #tpu.memory_space<hbm>>
      %dma_wait3A_303 = tpu.memref_squeeze %dma_wait3A_302 : memref<1x1x4096xf32, #tpu.memory_space<hbm>> -> memref<4096xf32, #tpu.memory_space<hbm>>
      tpu.wait_dma2 semaphore(%run_scoped3A : memref<!tpu.dma_semaphore, #tpu.memory_space<semaphore_mem>>) src(%arg17 : memref<4096xf32, #tpu.memory_space<vmem>>) dst(%dma_wait3A_303 : memref<4096xf32, #tpu.memory_space<hbm>>)
      tpu.yield
    }) : () -> ()
    %add3A_284 = arith.constant 4 : i32
    %add3A_285 = arith.addi %mul3A_275, %add3A_284 : i32
    "tpu.region"() ({
      %run_scoped3A = tpu.sem_alloc : memref<!tpu.dma_semaphore, #tpu.memory_space<semaphore_mem>>
      %dma_start3A_292 = arith.constant 0 : i32
      %dma_start3A_293 = tpu.memref_slice %arg4[%select_n3A_30, %add3A_285, %dma_start3A_292] : memref<8x32x4096xf32, #tpu.memory_space<hbm>> -> memref<1x1x4096xf32, #tpu.memory_space<hbm>>
      %dma_start3A_294 = tpu.memref_squeeze %dma_start3A_293 : memref<1x1x4096xf32, #tpu.memory_space<hbm>> -> memref<4096xf32, #tpu.memory_space<hbm>>
      %dma_start3A_295 = arith.constant 0 : i32
      %dma_start3A_296 = tpu.memref_slice %arg4[%select_n3A_30, %add3A_285, %dma_start3A_295] : memref<8x32x4096xf32, #tpu.memory_space<hbm>> -> memref<1x1x4096xf32, #tpu.memory_space<hbm>>
      %dma_start3A_297 = tpu.memref_squeeze %dma_start3A_296 : memref<1x1x4096xf32, #tpu.memory_space<hbm>> -> memref<4096xf32, #tpu.memory_space<hbm>>
      tpu.enqueue_dma source(%arg18 : memref<4096xf32, #tpu.memory_space<vmem>>) target(%dma_start3A_297 : memref<4096xf32, #tpu.memory_space<hbm>>) target_semaphore(%run_scoped3A : memref<!tpu.dma_semaphore, #tpu.memory_space<semaphore_mem>>)
      %dma_wait3A_298 = arith.constant 0 : i32
      %dma_wait3A_299 = tpu.memref_slice %arg4[%select_n3A_30, %add3A_285, %dma_wait3A_298] : memref<8x32x4096xf32, #tpu.memory_space<hbm>> -> memref<1x1x4096xf32, #tpu.memory_space<hbm>>
      %dma_wait3A_300 = tpu.memref_squeeze %dma_wait3A_299 : memref<1x1x4096xf32, #tpu.memory_space<hbm>> -> memref<4096xf32, #tpu.memory_space<hbm>>
      %dma_wait3A_301 = arith.constant 0 : i32
      %dma_wait3A_302 = tpu.memref_slice %arg4[%select_n3A_30, %add3A_285, %dma_wait3A_301] : memref<8x32x4096xf32, #tpu.memory_space<hbm>> -> memref<1x1x4096xf32, #tpu.memory_space<hbm>>
      %dma_wait3A_303 = tpu.memref_squeeze %dma_wait3A_302 : memref<1x1x4096xf32, #tpu.memory_space<hbm>> -> memref<4096xf32, #tpu.memory_space<hbm>>
      tpu.wait_dma2 semaphore(%run_scoped3A : memref<!tpu.dma_semaphore, #tpu.memory_space<semaphore_mem>>) src(%arg18 : memref<4096xf32, #tpu.memory_space<vmem>>) dst(%dma_wait3A_303 : memref<4096xf32, #tpu.memory_space<hbm>>)
      tpu.yield
    }) : () -> ()
    %add3A_286 = arith.constant 5 : i32
    %add3A_287 = arith.addi %mul3A_275, %add3A_286 : i32
    "tpu.region"() ({
      %run_scoped3A = tpu.sem_alloc : memref<!tpu.dma_semaphore, #tpu.memory_space<semaphore_mem>>
      %dma_start3A_292 = arith.constant 0 : i32
      %dma_start3A_293 = tpu.memref_slice %arg4[%select_n3A_30, %add3A_287, %dma_start3A_292] : memref<8x32x4096xf32, #tpu.memory_space<hbm>> -> memref<1x1x4096xf32, #tpu.memory_space<hbm>>
      %dma_start3A_294 = tpu.memref_squeeze %dma_start3A_293 : memref<1x1x4096xf32, #tpu.memory_space<hbm>> -> memref<4096xf32, #tpu.memory_space<hbm>>
      %dma_start3A_295 = arith.constant 0 : i32
      %dma_start3A_296 = tpu.memref_slice %arg4[%select_n3A_30, %add3A_287, %dma_start3A_295] : memref<8x32x4096xf32, #tpu.memory_space<hbm>> -> memref<1x1x4096xf32, #tpu.memory_space<hbm>>
      %dma_start3A_297 = tpu.memref_squeeze %dma_start3A_296 : memref<1x1x4096xf32, #tpu.memory_space<hbm>> -> memref<4096xf32, #tpu.memory_space<hbm>>
      tpu.enqueue_dma source(%arg19 : memref<4096xf32, #tpu.memory_space<vmem>>) target(%dma_start3A_297 : memref<4096xf32, #tpu.memory_space<hbm>>) target_semaphore(%run_scoped3A : memref<!tpu.dma_semaphore, #tpu.memory_space<semaphore_mem>>)
      %dma_wait3A_298 = arith.constant 0 : i32
      %dma_wait3A_299 = tpu.memref_slice %arg4[%select_n3A_30, %add3A_287, %dma_wait3A_298] : memref<8x32x4096xf32, #tpu.memory_space<hbm>> -> memref<1x1x4096xf32, #tpu.memory_space<hbm>>
      %dma_wait3A_300 = tpu.memref_squeeze %dma_wait3A_299 : memref<1x1x4096xf32, #tpu.memory_space<hbm>> -> memref<4096xf32, #tpu.memory_space<hbm>>
      %dma_wait3A_301 = arith.constant 0 : i32
      %dma_wait3A_302 = tpu.memref_slice %arg4[%select_n3A_30, %add3A_287, %dma_wait3A_301] : memref<8x32x4096xf32, #tpu.memory_space<hbm>> -> memref<1x1x4096xf32, #tpu.memory_space<hbm>>
      %dma_wait3A_303 = tpu.memref_squeeze %dma_wait3A_302 : memref<1x1x4096xf32, #tpu.memory_space<hbm>> -> memref<4096xf32, #tpu.memory_space<hbm>>
      tpu.wait_dma2 semaphore(%run_scoped3A : memref<!tpu.dma_semaphore, #tpu.memory_space<semaphore_mem>>) src(%arg19 : memref<4096xf32, #tpu.memory_space<vmem>>) dst(%dma_wait3A_303 : memref<4096xf32, #tpu.memory_space<hbm>>)
      tpu.yield
    }) : () -> ()
    %add3A_288 = arith.constant 6 : i32
    %add3A_289 = arith.addi %mul3A_275, %add3A_288 : i32
    "tpu.region"() ({
      %run_scoped3A = tpu.sem_alloc : memref<!tpu.dma_semaphore, #tpu.memory_space<semaphore_mem>>
      %dma_start3A_292 = arith.constant 0 : i32
      %dma_start3A_293 = tpu.memref_slice %arg4[%select_n3A_30, %add3A_289, %dma_start3A_292] : memref<8x32x4096xf32, #tpu.memory_space<hbm>> -> memref<1x1x4096xf32, #tpu.memory_space<hbm>>
      %dma_start3A_294 = tpu.memref_squeeze %dma_start3A_293 : memref<1x1x4096xf32, #tpu.memory_space<hbm>> -> memref<4096xf32, #tpu.memory_space<hbm>>
      %dma_start3A_295 = arith.constant 0 : i32
      %dma_start3A_296 = tpu.memref_slice %arg4[%select_n3A_30, %add3A_289, %dma_start3A_295] : memref<8x32x4096xf32, #tpu.memory_space<hbm>> -> memref<1x1x4096xf32, #tpu.memory_space<hbm>>
      %dma_start3A_297 = tpu.memref_squeeze %dma_start3A_296 : memref<1x1x4096xf32, #tpu.memory_space<hbm>> -> memref<4096xf32, #tpu.memory_space<hbm>>
      tpu.enqueue_dma source(%arg20 : memref<4096xf32, #tpu.memory_space<vmem>>) target(%dma_start3A_297 : memref<4096xf32, #tpu.memory_space<hbm>>) target_semaphore(%run_scoped3A : memref<!tpu.dma_semaphore, #tpu.memory_space<semaphore_mem>>)
      %dma_wait3A_298 = arith.constant 0 : i32
      %dma_wait3A_299 = tpu.memref_slice %arg4[%select_n3A_30, %add3A_289, %dma_wait3A_298] : memref<8x32x4096xf32, #tpu.memory_space<hbm>> -> memref<1x1x4096xf32, #tpu.memory_space<hbm>>
      %dma_wait3A_300 = tpu.memref_squeeze %dma_wait3A_299 : memref<1x1x4096xf32, #tpu.memory_space<hbm>> -> memref<4096xf32, #tpu.memory_space<hbm>>
      %dma_wait3A_301 = arith.constant 0 : i32
      %dma_wait3A_302 = tpu.memref_slice %arg4[%select_n3A_30, %add3A_289, %dma_wait3A_301] : memref<8x32x4096xf32, #tpu.memory_space<hbm>> -> memref<1x1x4096xf32, #tpu.memory_space<hbm>>
      %dma_wait3A_303 = tpu.memref_squeeze %dma_wait3A_302 : memref<1x1x4096xf32, #tpu.memory_space<hbm>> -> memref<4096xf32, #tpu.memory_space<hbm>>
      tpu.wait_dma2 semaphore(%run_scoped3A : memref<!tpu.dma_semaphore, #tpu.memory_space<semaphore_mem>>) src(%arg20 : memref<4096xf32, #tpu.memory_space<vmem>>) dst(%dma_wait3A_303 : memref<4096xf32, #tpu.memory_space<hbm>>)
      tpu.yield
    }) : () -> ()
    %add3A_290 = arith.constant 7 : i32
    %add3A_291 = arith.addi %mul3A_275, %add3A_290 : i32
    "tpu.region"() ({
      %run_scoped3A = tpu.sem_alloc : memref<!tpu.dma_semaphore, #tpu.memory_space<semaphore_mem>>
      %dma_start3A_292 = arith.constant 0 : i32
      %dma_start3A_293 = tpu.memref_slice %arg4[%select_n3A_30, %add3A_291, %dma_start3A_292] : memref<8x32x4096xf32, #tpu.memory_space<hbm>> -> memref<1x1x4096xf32, #tpu.memory_space<hbm>>
      %dma_start3A_294 = tpu.memref_squeeze %dma_start3A_293 : memref<1x1x4096xf32, #tpu.memory_space<hbm>> -> memref<4096xf32, #tpu.memory_space<hbm>>
      %dma_start3A_295 = arith.constant 0 : i32
      %dma_start3A_296 = tpu.memref_slice %arg4[%select_n3A_30, %add3A_291, %dma_start3A_295] : memref<8x32x4096xf32, #tpu.memory_space<hbm>> -> memref<1x1x4096xf32, #tpu.memory_space<hbm>>
      %dma_start3A_297 = tpu.memref_squeeze %dma_start3A_296 : memref<1x1x4096xf32, #tpu.memory_space<hbm>> -> memref<4096xf32, #tpu.memory_space<hbm>>
      tpu.enqueue_dma source(%arg21 : memref<4096xf32, #tpu.memory_space<vmem>>) target(%dma_start3A_297 : memref<4096xf32, #tpu.memory_space<hbm>>) target_semaphore(%run_scoped3A : memref<!tpu.dma_semaphore, #tpu.memory_space<semaphore_mem>>)
      %dma_wait3A_298 = arith.constant 0 : i32
      %dma_wait3A_299 = tpu.memref_slice %arg4[%select_n3A_30, %add3A_291, %dma_wait3A_298] : memref<8x32x4096xf32, #tpu.memory_space<hbm>> -> memref<1x1x4096xf32, #tpu.memory_space<hbm>>
      %dma_wait3A_300 = tpu.memref_squeeze %dma_wait3A_299 : memref<1x1x4096xf32, #tpu.memory_space<hbm>> -> memref<4096xf32, #tpu.memory_space<hbm>>
      %dma_wait3A_301 = arith.constant 0 : i32
      %dma_wait3A_302 = tpu.memref_slice %arg4[%select_n3A_30, %add3A_291, %dma_wait3A_301] : memref<8x32x4096xf32, #tpu.memory_space<hbm>> -> memref<1x1x4096xf32, #tpu.memory_space<hbm>>
      %dma_wait3A_303 = tpu.memref_squeeze %dma_wait3A_302 : memref<1x1x4096xf32, #tpu.memory_space<hbm>> -> memref<4096xf32, #tpu.memory_space<hbm>>
      tpu.wait_dma2 semaphore(%run_scoped3A : memref<!tpu.dma_semaphore, #tpu.memory_space<semaphore_mem>>) src(%arg21 : memref<4096xf32, #tpu.memory_space<vmem>>) dst(%dma_wait3A_303 : memref<4096xf32, #tpu.memory_space<hbm>>)
      tpu.yield
    }) : () -> ()
    return
  }
}

module attributes {stable_mosaic.version = 14 : i64} {
  func.func @_finalize_body(%arg0: memref<8x32x4096xf32, #tpu.memory_space<vmem>>, %arg1: memref<1x1xf32, #tpu.memory_space<vmem>>) attributes {dimension_semantics = [], scalar_prefetch = 0 : i64, scratch_operands = 0 : i64, tpu.core_type = #tpu.core_type<tc>} {
    %get3A = arith.constant 0 : index
    %get3A_0 = arith.constant 0 : index
    %get3A_1 = arith.constant 0 : index
    %get3A_2 = vector.load %arg0[%get3A, %get3A_0, %get3A_1] : memref<8x32x4096xf32, #tpu.memory_space<vmem>>, vector<8x32x4096xf32>
    %slice3A = vector.extract_strided_slice %get3A_2 {offsets = [0, 0, 0], sizes = [1, 32, 4096], strides = [1, 1, 1]} : vector<8x32x4096xf32> to vector<1x32x4096xf32>
    %squeeze3A = vector.shape_cast %slice3A : vector<1x32x4096xf32> to vector<32x4096xf32>
    %slice3A_3 = vector.extract_strided_slice %get3A_2 {offsets = [1, 0, 0], sizes = [1, 32, 4096], strides = [1, 1, 1]} : vector<8x32x4096xf32> to vector<1x32x4096xf32>
    %squeeze3A_4 = vector.shape_cast %slice3A_3 : vector<1x32x4096xf32> to vector<32x4096xf32>
    %add3A = arith.addf %squeeze3A, %squeeze3A_4 : vector<32x4096xf32>
    %slice3A_5 = vector.extract_strided_slice %get3A_2 {offsets = [2, 0, 0], sizes = [1, 32, 4096], strides = [1, 1, 1]} : vector<8x32x4096xf32> to vector<1x32x4096xf32>
    %squeeze3A_6 = vector.shape_cast %slice3A_5 : vector<1x32x4096xf32> to vector<32x4096xf32>
    %add3A_7 = arith.addf %add3A, %squeeze3A_6 : vector<32x4096xf32>
    %slice3A_8 = vector.extract_strided_slice %get3A_2 {offsets = [3, 0, 0], sizes = [1, 32, 4096], strides = [1, 1, 1]} : vector<8x32x4096xf32> to vector<1x32x4096xf32>
    %squeeze3A_9 = vector.shape_cast %slice3A_8 : vector<1x32x4096xf32> to vector<32x4096xf32>
    %add3A_10 = arith.addf %add3A_7, %squeeze3A_9 : vector<32x4096xf32>
    %slice3A_11 = vector.extract_strided_slice %get3A_2 {offsets = [4, 0, 0], sizes = [1, 32, 4096], strides = [1, 1, 1]} : vector<8x32x4096xf32> to vector<1x32x4096xf32>
    %squeeze3A_12 = vector.shape_cast %slice3A_11 : vector<1x32x4096xf32> to vector<32x4096xf32>
    %add3A_13 = arith.addf %add3A_10, %squeeze3A_12 : vector<32x4096xf32>
    %slice3A_14 = vector.extract_strided_slice %get3A_2 {offsets = [5, 0, 0], sizes = [1, 32, 4096], strides = [1, 1, 1]} : vector<8x32x4096xf32> to vector<1x32x4096xf32>
    %squeeze3A_15 = vector.shape_cast %slice3A_14 : vector<1x32x4096xf32> to vector<32x4096xf32>
    %add3A_16 = arith.addf %add3A_13, %squeeze3A_15 : vector<32x4096xf32>
    %slice3A_17 = vector.extract_strided_slice %get3A_2 {offsets = [6, 0, 0], sizes = [1, 32, 4096], strides = [1, 1, 1]} : vector<8x32x4096xf32> to vector<1x32x4096xf32>
    %squeeze3A_18 = vector.shape_cast %slice3A_17 : vector<1x32x4096xf32> to vector<32x4096xf32>
    %add3A_19 = arith.addf %add3A_16, %squeeze3A_18 : vector<32x4096xf32>
    %slice3A_20 = vector.extract_strided_slice %get3A_2 {offsets = [7, 0, 0], sizes = [1, 32, 4096], strides = [1, 1, 1]} : vector<8x32x4096xf32> to vector<1x32x4096xf32>
    %squeeze3A_21 = vector.shape_cast %slice3A_20 : vector<1x32x4096xf32> to vector<32x4096xf32>
    %add3A_22 = arith.addf %add3A_19, %squeeze3A_21 : vector<32x4096xf32>
    %slice3A_23 = vector.extract_strided_slice %add3A_22 {offsets = [0, 0], sizes = [32, 2048], strides = [1, 1]} : vector<32x4096xf32> to vector<32x2048xf32>
    %slice3A_24 = vector.extract_strided_slice %add3A_22 {offsets = [0, 2048], sizes = [32, 2048], strides = [1, 1]} : vector<32x4096xf32> to vector<32x2048xf32>
    %reduce_sum3A = arith.constant dense<0.000000e+00> : vector<32xf32>
    %reduce_sum3A_25 = vector.multi_reduction <add>, %slice3A_23, %reduce_sum3A [1] : vector<32x2048xf32> to vector<32xf32>
    %broadcast_in_dim3A = vector.shape_cast %reduce_sum3A_25 : vector<32xf32> to vector<32x1xf32>
    %sub3A = arith.constant 5.017600e+04 : f32
    %sub3A_26 = vector.broadcast %sub3A : f32 to vector<32x1xf32>
    %sub3A_27 = arith.subf %sub3A_26, %broadcast_in_dim3A : vector<32x1xf32>
    %broadcast_in_dim3A_28 = arith.constant 0.000000e+00 : f32
    %broadcast_in_dim3A_29 = vector.broadcast %broadcast_in_dim3A_28 : f32 to vector<32x1xf32>
    %slice3A_30 = vector.extract_strided_slice %slice3A_23 {offsets = [0, 0], sizes = [32, 2047], strides = [1, 1]} : vector<32x2048xf32> to vector<32x2047xf32>
    %concatenate3A = tpu.concatenate %broadcast_in_dim3A_29, %slice3A_30 in 1 : vector<32x1xf32>, vector<32x2047xf32> -> vector<32x2048xf32>
    %add3A_31 = arith.addf %slice3A_23, %concatenate3A : vector<32x2048xf32>
    %broadcast_in_dim3A_32 = arith.constant 0.000000e+00 : f32
    %broadcast_in_dim3A_33 = vector.broadcast %broadcast_in_dim3A_32 : f32 to vector<32x2xf32>
    %slice3A_34 = vector.extract_strided_slice %add3A_31 {offsets = [0, 0], sizes = [32, 2046], strides = [1, 1]} : vector<32x2048xf32> to vector<32x2046xf32>
    %concatenate3A_35 = tpu.concatenate %broadcast_in_dim3A_33, %slice3A_34 in 1 : vector<32x2xf32>, vector<32x2046xf32> -> vector<32x2048xf32>
    %add3A_36 = arith.addf %add3A_31, %concatenate3A_35 : vector<32x2048xf32>
    %broadcast_in_dim3A_37 = arith.constant 0.000000e+00 : f32
    %broadcast_in_dim3A_38 = vector.broadcast %broadcast_in_dim3A_37 : f32 to vector<32x4xf32>
    %slice3A_39 = vector.extract_strided_slice %add3A_36 {offsets = [0, 0], sizes = [32, 2044], strides = [1, 1]} : vector<32x2048xf32> to vector<32x2044xf32>
    %concatenate3A_40 = tpu.concatenate %broadcast_in_dim3A_38, %slice3A_39 in 1 : vector<32x4xf32>, vector<32x2044xf32> -> vector<32x2048xf32>
    %add3A_41 = arith.addf %add3A_36, %concatenate3A_40 : vector<32x2048xf32>
    %broadcast_in_dim3A_42 = arith.constant 0.000000e+00 : f32
    %broadcast_in_dim3A_43 = vector.broadcast %broadcast_in_dim3A_42 : f32 to vector<32x8xf32>
    %slice3A_44 = vector.extract_strided_slice %add3A_41 {offsets = [0, 0], sizes = [32, 2040], strides = [1, 1]} : vector<32x2048xf32> to vector<32x2040xf32>
    %concatenate3A_45 = tpu.concatenate %broadcast_in_dim3A_43, %slice3A_44 in 1 : vector<32x8xf32>, vector<32x2040xf32> -> vector<32x2048xf32>
    %add3A_46 = arith.addf %add3A_41, %concatenate3A_45 : vector<32x2048xf32>
    %broadcast_in_dim3A_47 = arith.constant 0.000000e+00 : f32
    %broadcast_in_dim3A_48 = vector.broadcast %broadcast_in_dim3A_47 : f32 to vector<32x16xf32>
    %slice3A_49 = vector.extract_strided_slice %add3A_46 {offsets = [0, 0], sizes = [32, 2032], strides = [1, 1]} : vector<32x2048xf32> to vector<32x2032xf32>
    %concatenate3A_50 = tpu.concatenate %broadcast_in_dim3A_48, %slice3A_49 in 1 : vector<32x16xf32>, vector<32x2032xf32> -> vector<32x2048xf32>
    %add3A_51 = arith.addf %add3A_46, %concatenate3A_50 : vector<32x2048xf32>
    %broadcast_in_dim3A_52 = arith.constant 0.000000e+00 : f32
    %broadcast_in_dim3A_53 = vector.broadcast %broadcast_in_dim3A_52 : f32 to vector<32x32xf32>
    %slice3A_54 = vector.extract_strided_slice %add3A_51 {offsets = [0, 0], sizes = [32, 2016], strides = [1, 1]} : vector<32x2048xf32> to vector<32x2016xf32>
    %concatenate3A_55 = tpu.concatenate %broadcast_in_dim3A_53, %slice3A_54 in 1 : vector<32x32xf32>, vector<32x2016xf32> -> vector<32x2048xf32>
    %add3A_56 = arith.addf %add3A_51, %concatenate3A_55 : vector<32x2048xf32>
    %broadcast_in_dim3A_57 = arith.constant 0.000000e+00 : f32
    %broadcast_in_dim3A_58 = vector.broadcast %broadcast_in_dim3A_57 : f32 to vector<32x64xf32>
    %slice3A_59 = vector.extract_strided_slice %add3A_56 {offsets = [0, 0], sizes = [32, 1984], strides = [1, 1]} : vector<32x2048xf32> to vector<32x1984xf32>
    %concatenate3A_60 = tpu.concatenate %broadcast_in_dim3A_58, %slice3A_59 in 1 : vector<32x64xf32>, vector<32x1984xf32> -> vector<32x2048xf32>
    %add3A_61 = arith.addf %add3A_56, %concatenate3A_60 : vector<32x2048xf32>
    %broadcast_in_dim3A_62 = arith.constant 0.000000e+00 : f32
    %broadcast_in_dim3A_63 = vector.broadcast %broadcast_in_dim3A_62 : f32 to vector<32x128xf32>
    %slice3A_64 = vector.extract_strided_slice %add3A_61 {offsets = [0, 0], sizes = [32, 1920], strides = [1, 1]} : vector<32x2048xf32> to vector<32x1920xf32>
    %concatenate3A_65 = tpu.concatenate %broadcast_in_dim3A_63, %slice3A_64 in 1 : vector<32x128xf32>, vector<32x1920xf32> -> vector<32x2048xf32>
    %add3A_66 = arith.addf %add3A_61, %concatenate3A_65 : vector<32x2048xf32>
    %broadcast_in_dim3A_67 = arith.constant 0.000000e+00 : f32
    %broadcast_in_dim3A_68 = vector.broadcast %broadcast_in_dim3A_67 : f32 to vector<32x256xf32>
    %slice3A_69 = vector.extract_strided_slice %add3A_66 {offsets = [0, 0], sizes = [32, 1792], strides = [1, 1]} : vector<32x2048xf32> to vector<32x1792xf32>
    %concatenate3A_70 = tpu.concatenate %broadcast_in_dim3A_68, %slice3A_69 in 1 : vector<32x256xf32>, vector<32x1792xf32> -> vector<32x2048xf32>
    %add3A_71 = arith.addf %add3A_66, %concatenate3A_70 : vector<32x2048xf32>
    %broadcast_in_dim3A_72 = arith.constant 0.000000e+00 : f32
    %broadcast_in_dim3A_73 = vector.broadcast %broadcast_in_dim3A_72 : f32 to vector<32x512xf32>
    %slice3A_74 = vector.extract_strided_slice %add3A_71 {offsets = [0, 0], sizes = [32, 1536], strides = [1, 1]} : vector<32x2048xf32> to vector<32x1536xf32>
    %concatenate3A_75 = tpu.concatenate %broadcast_in_dim3A_73, %slice3A_74 in 1 : vector<32x512xf32>, vector<32x1536xf32> -> vector<32x2048xf32>
    %add3A_76 = arith.addf %add3A_71, %concatenate3A_75 : vector<32x2048xf32>
    %broadcast_in_dim3A_77 = arith.constant 0.000000e+00 : f32
    %broadcast_in_dim3A_78 = vector.broadcast %broadcast_in_dim3A_77 : f32 to vector<32x1024xf32>
    %slice3A_79 = vector.extract_strided_slice %add3A_76 {offsets = [0, 0], sizes = [32, 1024], strides = [1, 1]} : vector<32x2048xf32> to vector<32x1024xf32>
    %concatenate3A_80 = tpu.concatenate %broadcast_in_dim3A_78, %slice3A_79 in 1 : vector<32x1024xf32>, vector<32x1024xf32> -> vector<32x2048xf32>
    %add3A_81 = arith.addf %add3A_76, %concatenate3A_80 : vector<32x2048xf32>
    %sub3A_82 = vector.broadcast %broadcast_in_dim3A : vector<32x1xf32> to vector<32x2048xf32>
    %sub3A_83 = arith.subf %sub3A_82, %add3A_81 : vector<32x2048xf32>
    %add3A_84 = vector.broadcast %sub3A_27 : vector<32x1xf32> to vector<32x2048xf32>
    %add3A_85 = arith.addf %add3A_84, %sub3A_83 : vector<32x2048xf32>
    %mul3A = vector.broadcast %sub3A_27 : vector<32x1xf32> to vector<32x2048xf32>
    %mul3A_86 = arith.mulf %mul3A, %slice3A_23 : vector<32x2048xf32>
    %max3A = arith.constant 1.000000e+00 : f32
    %max3A_87 = vector.broadcast %max3A : f32 to vector<32x2048xf32>
    %max3A_88 = arith.maximumf %add3A_85, %max3A_87 : vector<32x2048xf32>
    %add3A_89 = arith.addf %add3A_85, %slice3A_23 : vector<32x2048xf32>
    %mul3A_90 = arith.mulf %max3A_88, %add3A_89 : vector<32x2048xf32>
    %div3A = arith.divf %mul3A_86, %mul3A_90 : vector<32x2048xf32>
    %eq3A = arith.constant 0.000000e+00 : f32
    %eq3A_91 = vector.broadcast %eq3A : f32 to vector<32x1xf32>
    %eq3A_92 = arith.cmpf oeq, %sub3A_27, %eq3A_91 : vector<32x1xf32>
    %eq3A_93 = arith.constant 0.000000e+00 : f32
    %eq3A_94 = vector.broadcast %eq3A_93 : f32 to vector<32x2048xf32>
    %eq3A_95 = arith.cmpf oeq, %sub3A_83, %eq3A_94 : vector<32x2048xf32>
    %and3A = vector.broadcast %eq3A_92 : vector<32x1xi1> to vector<32x2048xi1>
    %and3A_96 = arith.andi %and3A, %eq3A_95 : vector<32x2048xi1>
    %gt3A = arith.constant 0.000000e+00 : f32
    %gt3A_97 = vector.broadcast %gt3A : f32 to vector<32x2048xf32>
    %gt3A_98 = arith.cmpf ogt, %slice3A_23, %gt3A_97 : vector<32x2048xf32>
    %and3A_99 = arith.andi %and3A_96, %gt3A_98 : vector<32x2048xi1>
    %jit3A = arith.constant 1.000000e+00 : f32
    %jit3A_100 = arith.constant 0.000000e+00 : f32
    %broadcast_in_dim3A_101 = vector.broadcast %jit3A : f32 to vector<32x2048xf32>
    %broadcast_in_dim3A_102 = vector.broadcast %jit3A_100 : f32 to vector<32x2048xf32>
    %select_n3A = arith.select %and3A_99, %broadcast_in_dim3A_101, %broadcast_in_dim3A_102 : vector<32x2048xi1>, vector<32x2048xf32>
    %add3A_103 = arith.addf %div3A, %select_n3A : vector<32x2048xf32>
    %iota3A = tpu.iota {dimensions = array<i32: 1>} : vector<32x2048xi32>
    %convert_element_type3A = arith.sitofp %iota3A : vector<32x2048xi32> to vector<32x2048xf32>
    %add3A_104 = arith.constant 5.000000e-01 : f32
    %add3A_105 = vector.broadcast %add3A_104 : f32 to vector<32x2048xf32>
    %add3A_106 = arith.addf %convert_element_type3A, %add3A_105 : vector<32x2048xf32>
    %div3A_107 = arith.constant 2.047500e+03 : f32
    %div3A_108 = vector.broadcast %div3A_107 : f32 to vector<32x2048xf32>
    %div3A_109 = arith.divf %add3A_106, %div3A_108 : vector<32x2048xf32>
    %add3A_110 = arith.constant 1.000000e+00 : f32
    %add3A_111 = vector.broadcast %add3A_110 : f32 to vector<32x2048xf32>
    %add3A_112 = arith.addf %add3A_111, %div3A_109 : vector<32x2048xf32>
    %mul3A_113 = arith.mulf %add3A_103, %add3A_112 : vector<32x2048xf32>
    %reduce_sum3A_114 = arith.constant dense<0.000000e+00> : vector<32xf32>
    %reduce_sum3A_115 = vector.multi_reduction <add>, %mul3A_113, %reduce_sum3A_114 [1] : vector<32x2048xf32> to vector<32xf32>
    %broadcast_in_dim3A_116 = vector.shape_cast %reduce_sum3A_115 : vector<32xf32> to vector<32x1xf32>
    %mul3A_117 = arith.mulf %slice3A_24, %div3A_109 : vector<32x2048xf32>
    %reduce_sum3A_118 = arith.constant dense<0.000000e+00> : vector<32xf32>
    %reduce_sum3A_119 = vector.multi_reduction <add>, %mul3A_117, %reduce_sum3A_118 [1] : vector<32x2048xf32> to vector<32xf32>
    %broadcast_in_dim3A_120 = vector.shape_cast %reduce_sum3A_119 : vector<32xf32> to vector<32x1xf32>
    %sub3A_121 = arith.subf %sub3A_27, %broadcast_in_dim3A_120 : vector<32x1xf32>
    %div3A_122 = arith.constant 5.017600e+04 : f32
    %div3A_123 = vector.broadcast %div3A_122 : f32 to vector<32x1xf32>
    %div3A_124 = arith.divf %sub3A_121, %div3A_123 : vector<32x1xf32>
    %add3A_125 = arith.addf %broadcast_in_dim3A_116, %div3A_124 : vector<32x1xf32>
    %reduce_sum3A_126 = vector.shape_cast %add3A_125 : vector<32x1xf32> to vector<1x32x1xf32>
    %reduce_sum3A_127 = arith.constant dense<0.000000e+00> : vector<1xf32>
    %reduce_sum3A_128 = vector.multi_reduction <add>, %reduce_sum3A_126, %reduce_sum3A_127 [1, 2] : vector<1x32x1xf32> to vector<1xf32>
    %reduce_sum3A_129 = vector.shape_cast %reduce_sum3A_128 : vector<1xf32> to vector<1x1x1xf32>
    %reduce_sum3A_130 = vector.extract %reduce_sum3A_129[0, 0, 0] : f32 from vector<1x1x1xf32>
    %broadcast_in_dim3A_131 = vector.broadcast %reduce_sum3A_130 : f32 to vector<1x1xf32>
    %div3A_132 = arith.constant 3.200000e+01 : f32
    %div3A_133 = vector.broadcast %div3A_132 : f32 to vector<1x1xf32>
    %div3A_134 = arith.divf %broadcast_in_dim3A_131, %div3A_133 : vector<1x1xf32>
    %swap3A = arith.constant 0 : index
    %swap3A_135 = arith.constant 0 : index
    %swap3A_136 = vector.load %arg1[%swap3A, %swap3A_135] : memref<1x1xf32, #tpu.memory_space<vmem>>, vector<1x1xf32>
    tpu.vector_store %arg1[%swap3A, %swap3A_135], %div3A_134 {strides = array<i32>} : memref<1x1xf32, #tpu.memory_space<vmem>>, vector<1x1xf32>,
    return
  }
}

</mosaic_0001>

<sc_bundles>
// kernel: kernel.4.cloned.1.call-start
scs
__scs_entry_jumppad:
0x0: {  	(pc) =	sbr.rel $0x88, $3  }
0x1: {  	(tag) =	ssettag $0x0;
	lr =	simm.s32 $0x1  }
0x2: {  	[smem:$0x3F9F] =	sst lr;
	_ =	strace $0xD0000000  }
0x3: {  	_ = 	snop  }
0x4: {  	_ = 	snop  }
0x5: {  	_ = 	snop  }
0x6: {  	_ = 	snop  }
0x7: {  	_ = 	snop  }
__scs_overlays_trampoline_lowered:
0x8: {  	[smem:$0x3FAE] =	sst s0  }
0x9: {  	[smem:$0x3FAF] =	sst s1  }
0xa: {  	[smem:$0x3FB0] =	sst s2  }
0xb: {  	[smem:$0x3FB1] =	sst s3  }
0xc: {  	[smem:$0x3FB2] =	sst s4  }
0xd: {  	[smem:$0x3FB3] =	sst s5  }
0xe: {  	[smem:$0x3FB4] =	sst s6  }
0xf: {  	[smem:$0x3FB5] =	sst s7  }
0x10: {  	[smem:$0x3FB6] =	sst s8  }
0x11: {  	[smem:$0x3FB7] =	sst s9;
	s0 =	simm.s32 @!p0 $0x0  }
0x12: {  	s1 =	sld [smem:$0x3F9D];
	s0 =	simm.s32 @p0 $0x1  }
0x13: {  	[smem:$0x3FB8] =	sst s0;
	s0 =	simm.s32 @!p1 $0x0  }
0x14: {  	s2 =	sld [smem:$0x3F9C];
	s0 =	simm.s32 @p1 $0x1  }
0x15: {  	[smem:$0x3FB9] =	sst s0;
	s0 =	simm.s32 @!p2 $0x0  }
0x16: {  	s3 =	sld [smem:$0x3FDB];
	s0 =	simm.s32 @p2 $0x1  }
0x17: {  	s4 =	simm.s32 $0x1BF5;
	[smem:$0x3FBB] =	sst s0  }
0x18: {  	s0 =	sld [smem:$0x3F9E];
	_ =	swait.ge [sflag:s4], $0x0  }
0x19: {  	s7 =	sld [smem:$0x3F9F]  }
0x1a: {  	s8 =	sadd.s32 $0xFFFFE003, lr  }
0x1b: {  	s9 =	sadd.s32 $0xFFFFFEF7, lr;
	s5 =	simm.s32 $0xFFFFFFFF;
	p2 =	slt.u32 s8, $0xFFFFF086  }
0x1c: {  	p1 =	slt.u32 s9, $0xF7A;
	s5 =	simm.s32 @!p2 $0x0  }
0x1d: {  	s5 =	simm.s32 @p1 $0x1;
	p0 =	seq.s32 s7, s2  }
0x1e: {  	s7 =	smul.u32 @!p0 $0xF7A, s2;
	p2 =	seq.s32 @!p0 s5, $0x0  }
0x1f: {  	s9 =	smul.u32 $0xF7A, s1;
	s8 =	simm.s32 @!p0 $0x1BF5;
	p2 =	por !p2, p0  }
0x20: {  	[sflag:s8] =	ssyncset.s32 @!p0 $0xFFFFF086;
	s6 =	sadd.s32 @!p0 s3, s7;
	s7 =	simm.s32 @!p0 $0x108  }
0x21: {  	s3 =	sadd.s32 s3, s9;
	s6 =	sadd.s32 @!p0 $0x88, s6;
	s7 =	simm.s32 @p2 $0x1082  }
0x22: {  	[simem:s7], [sflag:s8] =	dma.local @!p0 [hbm:s6], $0xF7A  }
0x23: {  	s9 =	sor.u32 $0xD0000000, s2;
	s6 =	simm.s32 $0x108;
	_ =	swait.ge @!p0 [sflag:s8], $0x0  }
0x24: {  	s3 =	sadd.s32 $0x88, s3;
	s6 =	simm.s32 @!p1 $0x1082;
	[sflag:s4] =	ssyncset.s32 $0xFFFFF086  }
0x25: {  	[simem:s6], [sflag:s4] =	dma.local [hbm:s3], $0xF7A  }
0x26: {  	[smem:$0x3F9F] =	sst s1;
	(tag) =	ssettag s2;
	_ =	strace s9  }
0x27: {  	s1 =	sld [smem:$0x3FAF]  }
0x28: {  	s2 =	sld [smem:$0x3FB0]  }
0x29: {  	s4 =	sld [smem:$0x3FB2]  }
0x2a: {  	p0 =	seq.s32 s5, $0x0;
	s5 =	sld [smem:$0x3FB3]  }
0x2b: {  	s6 =	sld [smem:$0x3FB4]  }
0x2c: {  	s7 =	sld [smem:$0x3FB5]  }
0x2d: {  	s3 =	simm.s32 $0x108;
	s8 =	sld [smem:$0x3FB6]  }
0x2e: {  	s3 =	simm.s32 @!p0 $0x1082;
	s9 =	sld [smem:$0x3FB7]  }
0x2f: {  	lr =	sadd.s32 s0, s3;
	s0 =	sld [smem:$0x3FAE]  }
0x30: {  	s3 =	sld [smem:$0x3FB1]  }
0x31: {  	[smem:$0x3FBA] =	sst s10  }
0x32: {  	s10 =	sld [smem:$0x3FB8];
	_ =	sdelay $0x3  }
0x33: {  	p0 =	seq.s32 s10, $0x1;
	s10 =	sld [smem:$0x3FBA];
	_ =	sdelay $0x3  }
0x34: {  	[smem:$0x3FBA] =	sst s10  }
0x35: {  	s10 =	sld [smem:$0x3FB9];
	_ =	sdelay $0x3  }
0x36: {  	p1 =	seq.s32 s10, $0x1;
	s10 =	sld [smem:$0x3FBA];
	_ =	sdelay $0x3  }
0x37: {  	[smem:$0x3FBA] =	sst s10  }
0x38: {  	s10 =	sld [smem:$0x3FBB]  }
0x39: {  	_ = 	snop;
	(pc) =	sbr.ind lr, $3  }
0x3a: {  	_ = 	snop  }
0x3b: {  	_ = 	snop  }
0x3c: {  	p2 =	seq.s32 s10, $0x1;
	s10 =	sld [smem:$0x3FBA]  }
0x3d: {  	_ =	shalt  }
0x3e: {  	_ =	shalt  }
0x3f: {  	_ =	shalt  }
0x40: {  	_ =	shalt  }
0x41: {  	_ =	shalt  }
0x42: {  	_ =	shalt  }
0x43: {  	_ =	shalt  }
0x44: {  	_ =	shalt  }
0x45: {  	_ =	shalt  }
0x46: {  	_ =	shalt  }
0x47: {  	_ =	shalt  }
0x48: {  	_ =	shalt  }
0x49: {  	_ =	shalt  }
0x4a: {  	_ =	shalt  }
0x4b: {  	_ =	shalt  }
0x4c: {  	_ =	shalt  }
0x4d: {  	_ =	shalt  }
0x4e: {  	_ =	shalt  }
0x4f: {  	_ =	shalt  }
0x50: {  	_ =	shalt  }
0x51: {  	_ =	shalt  }
0x52: {  	_ =	shalt  }
0x53: {  	_ =	shalt  }
0x54: {  	_ =	shalt  }
0x55: {  	_ =	shalt  }
0x56: {  	_ =	shalt  }
0x57: {  	_ =	shalt  }
0x58: {  	_ =	shalt  }
0x59: {  	_ =	shalt  }
0x5a: {  	_ =	shalt  }
0x5b: {  	_ =	shalt  }
0x5c: {  	_ =	shalt  }
0x5d: {  	_ =	shalt  }
0x5e: {  	_ =	shalt  }
0x5f: {  	_ =	shalt  }
0x60: {  	_ =	shalt  }
0x61: {  	_ =	shalt  }
0x62: {  	_ =	shalt  }
0x63: {  	_ =	shalt  }
0x64: {  	_ =	shalt  }
0x65: {  	_ =	shalt  }
0x66: {  	_ =	shalt  }
0x67: {  	_ =	shalt  }
0x68: {  	_ =	shalt  }
0x69: {  	_ =	shalt  }
0x6a: {  	_ =	shalt  }
0x6b: {  	_ =	shalt  }
0x6c: {  	_ =	shalt  }
0x6d: {  	_ =	shalt  }
0x6e: {  	_ =	shalt  }
0x6f: {  	_ =	shalt  }
0x70: {  	_ =	shalt  }
0x71: {  	_ =	shalt  }
0x72: {  	_ =	shalt  }
0x73: {  	_ =	shalt  }
0x74: {  	_ =	shalt  }
0x75: {  	_ =	shalt  }
0x76: {  	_ =	shalt  }
0x77: {  	_ =	shalt  }
0x78: {  	_ =	shalt  }
0x79: {  	_ =	shalt  }
0x7a: {  	_ =	shalt  }
0x7b: {  	_ =	shalt  }
0x7c: {  	_ =	shalt  }
0x7d: {  	_ =	shalt  }
0x7e: {  	_ =	shalt  }
0x7f: {  	_ =	shalt  }
0x80: {  	_ =	shalt  }
0x81: {  	_ =	shalt  }
0x82: {  	_ =	shalt  }
0x83: {  	_ =	shalt  }
0x84: {  	_ =	shalt  }
0x85: {  	_ =	shalt  }
0x86: {  	_ =	shalt  }
0x87: {  	_ =	shalt  }
.Lfunc_end0:
.L_simem_size_0:
called_computation_lowered:
.L_overlay_start_0:
0x88: {  	s2 =	sld [smem:$0x3FD9]  }
0x89: {  	s3 =	sld [smem:$0x3FFE];
	_ =	sdelay $0x1  }
0x8a: {  	s1 =	srdreg.scid  }
0x8b: {  	s0 =	sand.u32 $0x1, s1  }
0x8c: {  	s16 =	sshll.u32 s0, $0xA;
	s2 =	sadd.s32 s3, s2  }
0x8d: {  	s2 =	sadd.s32 s2, s16  }
0x8e: {  	[smem:$0x3FC6] =	sst s2  }
0x8f: {  	_ = 	snop  }
0x90: {  	(tm) =	ssettm $0x1  }
0x91: {  	s17 =	sld [smem:$0x3FFB];
	_ =	sdelay $0x3  }
0x92: {  	_ =	strace s17  }
0x93: {  	s2 =	sld [smem:$0x3FFC];
	_ =	sdelay $0x3  }
0x94: {  	_ =	strace s2  }
0x95: {  	s2 =	sld [smem:$0x3FFD];
	_ =	sdelay $0x3  }
0x96: {  	_ =	strace s2  }
0x97: {  	_ =	strace $0x8FFFFFFF  }
0x98: {  	s18 =	sld [smem:$0x3FDB];
	_ =	sdelay $0x1  }
0x99: {  	s19 =	simm.s32 $_scs_section_size  }
0x9a: {  	s4 =	simm.s32 $_size__tile_overlayer_lowered;
	s5 =	simm.s32 $_tile_overlayer_lowered  }
0x9b: {  	s22 =	simm.s32 $0x1BFF;
	s21 =	sshll.u32 s5, $0x1;
	s2 =	sadd.s32 s19, s18  }
0x9c: {  	s6 =	simm.s32 $0x0;
	s20 =	sshll.u32 s4, $0x1;
	s4 =	sadd.s32 s21, s2  }
0x9d: {  	[timem:s6], [sflag:s22] =	dma.local [hbm:s4], s20  }
0x9e: {  	_ =	swait.ge [sflag:s22], s20  }
0x9f: {  	s3 =	ssub.s32 $0x0, s20;
	[sflag:s22] =	ssyncset.done $0x0  }
0xa0: {  	[sflag:s22] =	ssyncadd.s32 s3;
	_ =	sdelay $0x1  }
0xa1: {  	s23 =	simm.s32 $0x1B8B  }
0xa2: {  	_ =	swait.ge [sflag:s23], $0x1  }
0xa3: {  	[sflag:s23] =	ssyncset.done $0x0  }
0xa4: {  	s25 =	simm.s32 $0x1B8E;
	s24 =	sld [smem:$0x3FFE];
	[sflag:s23] =	ssyncadd.s32 $0xFFFFFFFF  }
0xa5: {  	s26 =	simm.s32 $execute0_lowered;
	[smem:$0x3FD2] =	sst s25  }
0xa6: {  	s4 =	sshll.u32 s26, $0x1;
	_ =	strace $0x80000046;
	[dreg:$0x1] =	wrdreg $0xFFFFFFFF  }
0xa7: {  	s28 =	simm.s32 $_size_execute0_lowered;
	s2 =	sadd.s32 s2, s4;
	[dreg:$0x0] =	wrdreg $0x0  }
0xa8: {  	s4 =	sshll.u32 s28, $0x1;
	[dreg:$0x2] =	wrdreg s2  }
0xa9: {  	[dreg:$0x3] =	wrdreg s4  }
0xaa: {  	[dreg:$0x4] =	wrdreg $0xC0  }
0xab: {  	_ =	task [dreg:s6], $0x5FFFF  }
0xac: {  	[dreg:$0x1] =	wrdreg $0xFFFFFFFF  }
0xad: {  	[dreg:$0x0] =	wrdreg $0x60  }
0xae: {  	[dreg:$0x2] =	wrdreg s24  }
0xaf: {  	[dreg:$0x3] =	wrdreg $0x9  }
0xb0: {  	_ =	task.clear_ibuf [dreg:s6], $0x4FFFF;
	_ =	strace $0x90000046  }
0xb1: {  	s29 =	simm.s32 $0x9;
	_ =	strace $0x80000048  }
0xb2: {  	_ =	swait.ge [sflag:s29], $0x1  }
0xb3: {  	[sflag:s29] =	ssyncadd.s32 $0xFFFFFFFF  }
0xb4: {  	_ =	strace $0x90000048  }
0xb5: {  	_ =	sfence  }
0xb6: {  	s30 =	sld [smem:$0x0];
	_ =	sdelay $0x2  }
0xb7: {  	s31 =	sshll.u32 s1, $0xD;
	s1 =	sshrl.u32 s1, $0x2  }
0xb8: {  	s3 =	sand.u32 $0x4000, s31;
	s1 =	sadd.s32 s1, s30  }
0xb9: {  	s0 =	sor.u32 s3, s0;
	s1 =	sshll.u32 s1, $0x11  }
0xba: {  	s0 =	sor.u32 s1, s0  }
0xbb: {  	s0 =	sadd.s32 $0x8F2B, s0  }
0xbc: {  	[sflag:s0] =	ssyncadd.remote.s32 $0x1  }
0xbd: {  	_ =	sfence.sel $0xFFFF  }
0xbe: {  	[dreg:$0x0] =	wrdreg $0xFFFFFFFF;
	(pc) =	sbr.abs _section_cstart, $3  }
0xbf: {  	[dreg:$0x1] =	wrdreg $0xFFFFFFFF  }
0xc0: {  	_ =	task.clear_ibuf [dreg:s6], $0x2FFFF;
	_ =	strace $0x9FFFFFFF  }
0xc1: {  	(tm) =	ssettm $0x7FFFFFFF  }
tec
execute0_lowered:
.L_overlay_start_1:
0x0: {  	(tag) =	ssettag $0x1  }
0x1: {  	s0 =	rddreg [dreg:$0x0]  }
0x2: {  	s3 =	stileid.u32;
	s1 =	srdreg.scid;
	s5 =	simm.s32 $0x0  }
0x3: {  	s28 =	simm.s32 $0x13C80;
	s29 =	simm.s32 $0x14C80;
	s30 =	simm.s32 $0x2  }
0x4: {  	s31 =	simm.s32 $0x0;
	s2 =	sshll.u32 s3, $0x1;
	s1 =	sand.u32 $0x1, s1  }
0x5: {  	s3 =	sshrl.u32 s3, $0x2;
	[smem:$0x7FF] =	sst s5;
	s10 =	sadd.s32 $0x6800, s0  }
0x6: {  	s2 =	sand.u32 $0x6, s2;
	s4 =	smul.u32 $0xC400, s3;
	_ =	strace $0x80000047  }
0x7: {  	s6 =	smul.u32 $0x62000, s3;
	s3 =	sshll.u32 s3, $0xC;
	s2 =	sor.u32 s1, s2  }
0x8: {  	s1 =	ssub.s32 $0x2, s1;
	s15 =	sshll.u32 s2, $0x7;
	s2 =	sshll.u32 s2, $0xE  }
0x9: {  	s17 =	sshrl.u32 s1, $0x1;
	s4 =	sor.u32 s4, s15;
	s2 =	sor.u32 s3, s2  }
0xa: {  	s16 =	sor.u32 s6, s15;
	s1 =	ssub.s32 s1, s17;
	s4 =	sshrl.u32 s4, $0x3  }
0xb: {  	s5 =	sadd.s32 $0xC400, s16;
	s18 =	sshrl.u32 s16, $0x3;
	s20 =	sadd.s32 $0x18800, s16  }
0xc: {  	s21 =	sadd.s32 $0x24C00, s16;
	s6 =	sadd.s32 $0x31000, s16;
	s24 =	sadd.s32 $0x3D400, s16  }
0xd: {  	s25 =	sadd.s32 $0x49800, s16;
	s3 =	sadd.s32 $0x55C00, s16;
	s4 =	sadd.s32 s4, s0  }
0xe: {  	s0 =	sadd.s32 s2, s0;
	s5 =	sshrl.u32 s5, $0x3;
	s2 =	sadd.s32 s10, s18  }
0xf: {  	s22 =	sshrl.u32 s21, $0x3;
	s23 =	sshrl.u32 s6, $0x3;
	s26 =	sshrl.u32 s25, $0x3  }
0x10: {  	s3 =	sshrl.u32 s3, $0x3;
	s21 =	simm.s32 $0x80;
	s25 =	simm.s32 $0x11C80  }
0x11: {  	[dreg:$0x2] =	wrdreg s2;
	s19 =	sadd.s32 s10, s5;
	s2 =	sshrl.u32 s20, $0x3  }
0x12: {  	s7 =	sadd.s32 s10, s23;
	s9 =	sadd.s32 s10, s26;
	s11 =	sadd.s32 $0x600, s4  }
0x13: {  	s12 =	sadd.s32 $0x37800, s0;
	s13 =	sadd.s32 $0x37810, s0;
	s14 =	sadd.s32 $0x37820, s0  }
0x14: {  	s15 =	sadd.s32 $0x37830, s0;
	s16 =	sadd.s32 $0x37840, s0;
	s17 =	sadd.s32 $0x37850, s0  }
0x15: {  	s18 =	sadd.s32 $0x37860, s0;
	s20 =	smax.u32 s1, $0x1;
	s1 =	simm.s32 $0xDC80  }
0x16: {  	s23 =	simm.s32 $0xFC80;
	s26 =	simm.s32 $0x12C80;
	[dreg:$0x3] =	wrdreg s19  }
0x17: {  	s2 =	sadd.s32 s10, s2;
	s19 =	sadd.s32 $0x37870, s0;
	s0 =	simm.s32 $0x1  }
0x18: {  	[dreg:$0x4] =	wrdreg s2;
	s2 =	sadd.s32 s10, s22;
	s22 =	simm.s32 $0x400  }
0x19: {  	[dreg:$0x5] =	wrdreg s2;
	s2 =	sshrl.u32 s24, $0x3;
	s24 =	simm.s32 $0x10C80  }
0x1a: {  	v0 =	vimm.f32 $0.0e+00;
	v1 =	vimm.f32 $1.000000000e+00;
	s8 =	sadd.s32 s10, s2;
	s10 =	sadd.s32 s10, s3;
	s2 =	simm.s32 $0xEC80  }
.LBB2_1:
0x1b: {  	s3 =	simm.s32 $0x0;
	s4 =	rddreg [dreg:$0x2]  }
0x1c: {  	[tilespmem:s3], [sflag:$0x1] =	stream.strided.gather [hbm4b:s4+s21], $0x1880, s22, s21, $0x38;
	[tilespmem:$0x15C80] =	vst v63  }
0x1d: {  	s5 =	rddreg [dreg:$0x3];
	s6 =	simm.s32 $0x1880  }
0x1e: {  	[tilespmem:s6], [sflag:$0x1] =	stream.strided.gather [hbm4b:s5+s21], $0x1880, s22, s21, $0x38;
	[tilespmem:$0x15C80] =	vst v63  }
0x1f: {  	s5 =	rddreg [dreg:$0x4];
	s6 =	simm.s32 $0x3100  }
0x20: {  	[tilespmem:s6], [sflag:$0x1] =	stream.strided.gather [hbm4b:s5+s21], $0x1880, s22, s21, $0x38;
	[tilespmem:$0x15C80] =	vst v63  }
0x21: {  	s5 =	rddreg [dreg:$0x5];
	s6 =	simm.s32 $0x4980  }
0x22: {  	[tilespmem:s6], [sflag:$0x1] =	stream.strided.gather [hbm4b:s5+s21], $0x1880, s22, s21, $0x38;
	[tilespmem:$0x15C80] =	vst v63  }
0x23: {  	s5 =	simm.s32 $0x6200  }
0x24: {  	[tilespmem:s5], [sflag:$0x1] =	stream.strided.gather [hbm4b:s7+s21], $0x1880, s22, s21, $0x38;
	[tilespmem:$0x15C80] =	vst v63  }
0x25: {  	s6 =	simm.s32 $0x7A80  }
0x26: {  	[tilespmem:s6], [sflag:$0x1] =	stream.strided.gather [hbm4b:s8+s21], $0x1880, s22, s21, $0x38;
	[tilespmem:$0x15C80] =	vst v63  }
0x27: {  	s4 =	simm.s32 $0x9300  }
0x28: {  	[tilespmem:s4], [sflag:$0x1] =	stream.strided.gather [hbm4b:s9+s21], $0x1880, s22, s21, $0x38;
	[tilespmem:$0x15C80] =	vst v63  }
0x29: {  	s5 =	simm.s32 $0xAB80  }
0x2a: {  	[tilespmem:s5], [sflag:$0x1] =	stream.strided.gather [hbm4b:s10+s21], $0x1880, s22, s21, $0x38;
	[tilespmem:$0x15C80] =	vst v63  }
0x2b: {  	s3 =	simm.s32 $0x0;
	s6 =	simm.s32 $0xC400;
	s4 =	simm.s32 $0x40  }
0x2c: {  	[tilespmem:s6], [sflag:$0x1] =	stream.strided.gather [hbm4b:s11+s21], $0x1880, s22, s21, $0x38;
	[tilespmem:$0x15C80] =	vst v63  }
.LBB2_2:
0x2d: {  	p0 =	sne.s32 s4, $0x3FC0;
	[tilespmem:s3+$0x14C80] =	vst v0  }
0x2e: {  	[tilespmem:s3+$0xDC80] =	vst v0  }
0x2f: {  	[tilespmem:s3+$0xEC80] =	vst v0  }
.Ltmp0:
0x30: {  	[tilespmem:s3+$0xFC80] =	vst v0;
	(pc) =	sbr.rel @p0 .LBB2_2-.Ltmp0, $4  }
0x31: {  	[tilespmem:s3+$0x10C80] =	vst v0  }
0x32: {  	[tilespmem:s3+$0x11C80] =	vst v0  }
0x33: {  	[tilespmem:s3+$0x12C80] =	vst v0  }
0x34: {  	[tilespmem:s3+$0x13C80] =	vst v0;
	s3 =	sshra.s32 s4, $0x2;
	s4 =	sadd.s32 $0x40, s4  }
0x35: {  	[tilespmem:s3+$0x14C80] =	vst v0  }
0x36: {  	[tilespmem:s3+$0xDC80] =	vst v0  }
0x37: {  	[tilespmem:s3+$0xEC80] =	vst v0  }
0x38: {  	[tilespmem:s3+$0xFC80] =	vst v0  }
0x39: {  	[tilespmem:s3+$0x10C80] =	vst v0  }
0x3a: {  	[tilespmem:s3+$0x11C80] =	vst v0  }
0x3b: {  	[tilespmem:s3+$0x12C80] =	vst v0  }
0x3c: {  	[tilespmem:s3+$0x13C80] =	vst v0  }
0x3d: {  	_ =	swait.ge [sflag:s0], $0x1880  }
0x3e: {  	[sflag:s0] =	ssyncset.done $0x0  }
0x3f: {  	[sflag:s0] =	ssyncadd.s32 $0xFFFFE780  }
0x40: {  	_ =	swait.ge [sflag:s0], $0x1880  }
0x41: {  	[sflag:s0] =	ssyncset.done $0x0  }
0x42: {  	[sflag:s0] =	ssyncadd.s32 $0xFFFFE780  }
0x43: {  	_ =	swait.ge [sflag:s0], $0x1880  }
0x44: {  	[sflag:s0] =	ssyncset.done $0x0  }
0x45: {  	[sflag:s0] =	ssyncadd.s32 $0xFFFFE780  }
0x46: {  	_ =	swait.ge [sflag:s0], $0x1880  }
0x47: {  	[sflag:s0] =	ssyncset.done $0x0  }
0x48: {  	[sflag:s0] =	ssyncadd.s32 $0xFFFFE780  }
0x49: {  	_ =	swait.ge [sflag:s0], $0x1880  }
0x4a: {  	[sflag:s0] =	ssyncset.done $0x0  }
0x4b: {  	[sflag:s0] =	ssyncadd.s32 $0xFFFFE780  }
0x4c: {  	_ =	swait.ge [sflag:s0], $0x1880  }
0x4d: {  	[sflag:s0] =	ssyncset.done $0x0  }
0x4e: {  	[sflag:s0] =	ssyncadd.s32 $0xFFFFE780  }
0x4f: {  	_ =	swait.ge [sflag:s0], $0x1880  }
0x50: {  	[sflag:s0] =	ssyncset.done $0x0  }
0x51: {  	[sflag:s0] =	ssyncadd.s32 $0xFFFFE780  }
0x52: {  	_ =	swait.ge [sflag:s0], $0x1880  }
0x53: {  	[sflag:s0] =	ssyncset.done $0x0  }
0x54: {  	[sflag:s0] =	ssyncadd.s32 $0xFFFFE780  }
0x55: {  	_ =	swait.ge [sflag:s0], $0x1880  }
0x56: {  	[sflag:s0] =	ssyncset.done $0x0  }
0x57: {  	[sflag:s0] =	ssyncadd.s32 $0xFFFFE780  }
0x58: {  	v2 =	vld [tilespmem:$0xAB80]  }
0x59: {  	v3 =	vld [tilespmem:$0x3100]  }
0x5a: {  	v4 =	vld [tilespmem:$0x6200]  }
0x5b: {  	v5 =	vld [tilespmem:$0x7A80]  }
0x5c: {  	v6 =	vld [tilespmem:$0x1880]  }
0x5d: {  	v7 =	vld [tilespmem:$0x4980];
	v2 =	vmul.f32 $1.442695020e+00, v2  }
0x5e: {  	v8 =	vld [tilespmem:$0x9300];
	v3 =	vmul.f32 $1.442695020e+00, v3  }
0x5f: {  	v9 =	vld [tilespmem:$0x0];
	(erf) = vpow2.f32 v2;
	v2 =	vmul.f32 $1.442695020e+00, v4  }
0x60: {  	v4 =	vmul.f32 $1.442695020e+00, v5;
	(erf) = vpow2.f32 v3  }
0x61: {  	v3 =	vmul.f32 $1.442695020e+00, v6;
	(erf) = vpow2.f32 v2  }
0x62: {  	v2 =	vmul.f32 $1.442695020e+00, v7;
	(erf) = vpow2.f32 v4  }
0x63: {  	v4 =	vmul.f32 $1.442695020e+00, v8;
	(erf) = vpow2.f32 v3  }
0x64: {  	v3 =	vmul.f32 $1.442695020e+00, v9;
	(erf) = vpow2.f32 v2  }
0x65: {  	(erf) = vpow2.f32 v4  }
0x66: {  	(erf) = vpow2.f32 v3;
	_ =	sdelay $0x1  }
0x67: {  	v6 =	vpop (erf)  }
0x68: {  	v2 =	vpop (erf)  }
0x69: {  	v3 =	vpop (erf)  }
0x6a: {  	v4 =	vpop (erf)  }
0x6b: {  	v5 =	vpop (erf)  }
0x6c: {  	v7 =	vpop (erf)  }
0x6d: {  	v10 =	vpop (erf)  }
0x6e: {  	v8 =	vadd.f32 v4, v3;
	v9 =	vadd.f32 v7, v2;
	v11 =	vpop (erf)  }
0x6f: {  	v13 =	vadd.f32 v6, v10;
	v12 =	vadd.f32 v5, v11;
	_ =	sdelay $0x1  }
0x70: {  	v8 =	vadd.f32 v13, v8;
	v9 =	vadd.f32 v9, v12;
	_ =	sdelay $0x1  }
0x71: {  	v8 =	vadd.f32 v8, v9;
	_ =	sdelay $0x1  }
0x72: {  	s6 =	simm.s32 $0x10;
	(erf) = vrcp.f32 v8  }
0x73: {  	v14 =	vld [tilespmem:s6+$0x3100]  }
0x74: {  	v16 =	vld [tilespmem:s6+$0x7A80]  }
0x75: {  	v8 =	vld [tilespmem:s6+$0xAB80]  }
0x76: {  	v13 =	vld [tilespmem:s6+$0x4980];
	_ =	sdelay $0x1  }
0x77: {  	v15 =	vld [tilespmem:s6+$0x6200]  }
0x78: {  	v17 =	vld [tilespmem:s6+$0x9300]  }
0x79: {  	v18 =	vld [tilespmem:s6+$0x1880];
	v14 =	vmul.f32 $1.442695020e+00, v14;
	v8 =	vmul.f32 $1.442695020e+00, v8  }
0x7a: {  	v16 =	vmul.f32 $1.442695020e+00, v16;
	v13 =	vmul.f32 $1.442695020e+00, v13;
	v9 =	vpop (erf)  }
0x7b: {  	v12 =	vld [tilespmem:$0xC400];
	(erf) = vpow2.f32 v8;
	v9 =	vmul.f32 $2.047500000e+03, v9  }
0x7c: {  	v8 =	vmul.f32 $1.442695020e+00, v15;
	(erf) = vpow2.f32 v14  }
0x7d: {  	v15 =	vld [tilespmem:s6+$0x0];
	v14 =	vmul.f32 $1.442695020e+00, v17;
	v11 =	vmul.f32 v9, v11  }
0x7e: {  	v17 =	vmul.f32 $1.442695020e+00, v18;
	(erf) = vpow2.f32 v8  }
0x7f: {  	(erf) = vpow2.f32 v16;
	v11 =	vtrunc.f32 v11  }
0x80: {  	vm0 =	veq.s32 v12, $0x1;
	(erf) = vpow2.f32 v17;
	v8 =	vcvt.f32.s32 v11  }
0x81: {  	vm3 =	veq.s32 v12, $0x0;
	(erf) = vpow2.f32 v13;
	v2 =	vmul.f32 v9, v2  }
0x82: {  	v11 =	vmul.f32 $1.442695020e+00, v15;
	v15 =	vmul.f32 v9, v5;
	v5 =	vadd.s32 $0x800, v8  }
0x83: {  	v2 =	vtrunc.f32 v2;
	v16 =	vsel vm3, v5, v8;
	v5 =	vmul.f32 v9, v7  }
0x84: {  	vm1 =	veq.s32 v12, $0x7;
	(erf) = vpow2.f32 v14;
	v2 =	vcvt.f32.s32 v2  }
0x85: {  	vm2 =	veq.s32 v12, $0x6;
	(erf) = vpow2.f32 v11;
	v5 =	vtrunc.f32 v5  }
0x86: {  	vm4 =	veq.s32 v12, $0x4;
	vm5 =	veq.s32 v12, $0x3;
	vm6 =	veq.s32 v12, $0x2  }
0x87: {  	v17 =	vmul.f32 v9, v4;
	v4 =	vadd.s32 $0x800, v2;
	v7 =	vmul.f32 v9, v3;
	v8 =	vpop (erf)  }
0x88: {  	vm3 =	veq.s32 v12, $0x5;
	v12 =	vtrunc.f32 v15;
	v11 =	vcvt.f32.s32 v5;
	v5 =	vpop (erf)  }
0x89: {  	v13 =	vmul.f32 v9, v10;
	v10 =	vsel vm6, v4, v2;
	v2 =	vld [tilespmem:s6+$0xC400];
	v14 =	vcvt.f32.s32 v12;
	v3 =	vpop (erf)  }
0x8a: {  	v18 =	vtrunc.f32 v7;
	v15 =	vadd.s32 $0x800, v11;
	[tilespmem:v16+s1+$0x0] =	vst.idx.add.f32.msk $0xffff, v1;
	v16 =	vtrunc.f32 v17;
	v4 =	vpop (erf)  }
0x8b: {  	s3 =	simm.s32 $0x80;
	s4 =	simm.s32 $0xC0;
	v11 =	vsel vm5, v15, v11;
	v15 =	vcvt.f32.s32 v18;
	v12 =	vadd.f32 v4, v3;
	v7 =	vpop (erf)  }
.LBB2_4:
0x8c: {  	p0 =	sne.s32 s4, $0x61C0;
	v17 =	vpop (erf);
	v23 =	vmul.f32 v9, v6;
	v9 =	vtrunc.f32 v13;
	v13 =	vadd.s32 $0x800, v14;
	s6 =	smov.u32 s4;
	s4 =	sadd.s32 $0x40, s4  }
0x8d: {  	v18 =	vadd.f32 v17, v5;
	v19 =	vpop (erf);
	v20 =	vadd.s32 $0x800, v15;
	v13 =	vsel vm0, v13, v14  }
0x8e: {  	v16 =	vcvt.f32.s32 v16;
	v9 =	vcvt.f32.s32 v9;
	v14 =	vpop (erf);
	v15 =	vsel vm4, v20, v15  }
0x8f: {  	v6 =	vmovc v8;
	v21 =	vadd.f32 v8, v19;
	v22 =	vtrunc.f32 v23;
	v20 =	vadd.f32 v7, v14  }
0x90: {  	v8 =	vcvt.f32.s32 v22;
	v22 =	vadd.s32 $0x800, v16;
	v23 =	vadd.s32 $0x800, v9  }
0x91: {  	v12 =	vadd.f32 v21, v12;
	v16 =	vsel vm3, v22, v16;
	v18 =	vadd.f32 v18, v20  }
0x92: {  	vm0 =	veq.s32 v2, $0x1;
	v9 =	vsel vm2, v23, v9;
	v20 =	vadd.s32 $0x800, v8;
	[tilespmem:v13+s2+$0x0] =	vst.idx.add.f32.msk $0xffff, v1  }
0x93: {  	v8 =	vsel vm1, v20, v8;
	v12 =	vadd.f32 v12, v18;
	[tilespmem:v10+s23+$0x0] =	vst.idx.add.f32.msk $0xffff, v1  }
0x94: {  	[tilespmem:v11+s24+$0x0] =	vst.idx.add.f32.msk $0xffff, v1  }
0x95: {  	(erf) = vrcp.f32 v12;
	[tilespmem:v15+s25+$0x0] =	vst.idx.add.f32.msk $0xffff, v1  }
0x96: {  	[tilespmem:v16+s26+$0x0] =	vst.idx.add.f32.msk $0xffff, v1  }
0x97: {  	[tilespmem:v9+s28+$0x0] =	vst.idx.add.f32.msk $0xffff, v1  }
0x98: {  	s5 =	sshra.s32 s3, $0x2;
	s3 =	smov.u32 s6;
	[tilespmem:v8+s29+$0x0] =	vst.idx.add.f32.msk $0xffff, v1  }
0x99: {  	v8 =	vld [tilespmem:s5+$0xAB80]  }
0x9a: {  	v10 =	vld [tilespmem:s5+$0x4980]  }
0x9b: {  	v11 =	vld [tilespmem:s5+$0x3100]  }
0x9c: {  	v12 =	vld [tilespmem:s5+$0x6200]  }
0x9d: {  	v13 =	vld [tilespmem:s5+$0x7A80]  }
0x9e: {  	v8 =	vmul.f32 $1.442695020e+00, v8;
	v15 =	vld [tilespmem:s5+$0x9300];
	v9 =	vpop (erf)  }
0x9f: {  	v16 =	vld [tilespmem:s5+$0x1880];
	v9 =	vmul.f32 $2.047500000e+03, v9  }
0xa0: {  	v11 =	vmul.f32 $1.442695020e+00, v11;
	(erf) = vpow2.f32 v8  }
0xa1: {  	v8 =	vmul.f32 $1.442695020e+00, v12;
	v12 =	vld [tilespmem:s5+$0x0];
	v14 =	vmul.f32 v9, v14  }
0xa2: {  	v13 =	vmul.f32 $1.442695020e+00, v13;
	(erf) = vpow2.f32 v11  }
0xa3: {  	v11 =	vmul.f32 $1.442695020e+00, v15;
	v14 =	vtrunc.f32 v14  }
0xa4: {  	vm1 =	veq.s32 v2, $0x7;
	v10 =	vmul.f32 $1.442695020e+00, v10;
	v15 =	vmul.f32 $1.442695020e+00, v16  }
0xa5: {  	vm2 =	veq.s32 v2, $0x6;
	(erf) = vpow2.f32 v8;
	v8 =	vcvt.f32.s32 v14  }
0xa6: {  	vm3 =	veq.s32 v2, $0x0;
	v12 =	vmul.f32 $1.442695020e+00, v12;
	(erf) = vpow2.f32 v13  }
0xa7: {  	v7 =	vmul.f32 v9, v7;
	(erf) = vpow2.f32 v15;
	v13 =	vadd.s32 $0x800, v8  }
0xa8: {  	v14 =	vmul.f32 v9, v5;
	(erf) = vpow2.f32 v10;
	v10 =	vsel vm3, v13, v8  }
0xa9: {  	vm3 =	veq.s32 v2, $0x5;
	(erf) = vpow2.f32 v11;
	v8 =	vpop (erf);
	v11 =	vmul.f32 v9, v17  }
0xaa: {  	vm4 =	veq.s32 v2, $0x4;
	(erf) = vpow2.f32 v12;
	v12 =	vtrunc.f32 v14  }
0xab: {  	vm5 =	veq.s32 v2, $0x3;
	v5 =	vpop (erf);
	v12 =	vcvt.f32.s32 v12;
	v11 =	vtrunc.f32 v11  }
.Ltmp1:
0xac: {  	vm6 =	veq.s32 v2, $0x2;
	v15 =	vmul.f32 v9, v3;
	v11 =	vcvt.f32.s32 v11;
	v2 =	vld [tilespmem:s5+$0xC400];
	(pc) =	sbr.rel @p0 .LBB2_4-.Ltmp1, $4  }
0xad: {  	v16 =	vmul.f32 v9, v4;
	v13 =	vmul.f32 v9, v19;
	v14 =	vadd.s32 $0x800, v12;
	[tilespmem:v10+s1+$0x0] =	vst.idx.add.f32.msk $0xffff, v1  }
0xae: {  	v18 =	vtrunc.f32 v7;
	v3 =	vpop (erf);
	v17 =	vadd.s32 $0x800, v11;
	v10 =	vsel vm6, v14, v12  }
0xaf: {  	v15 =	vtrunc.f32 v15;
	v14 =	vcvt.f32.s32 v18;
	v4 =	vpop (erf);
	v11 =	vsel vm5, v17, v11  }
0xb0: {  	v16 =	vtrunc.f32 v16;
	v15 =	vcvt.f32.s32 v15;
	v12 =	vadd.f32 v4, v3;
	v7 =	vpop (erf)  }
0xb1: {  	v17 =	vadd.s32 $0x800, v14  }
0xb2: {  	v6 =	vmul.f32 v9, v6;
	v49 =	vsel vm0, v17, v14  }
0xb3: {  	v13 =	vtrunc.f32 v13;
	v50 =	vcvt.f32.s32 v16  }
0xb4: {  	v51 =	vadd.s32 $0x800, v15;
	v13 =	vcvt.f32.s32 v13;
	v6 =	vtrunc.f32 v6  }
0xb5: {  	v15 =	vsel vm4, v51, v15;
	v52 =	vadd.s32 $0x800, v50;
	v6 =	vcvt.f32.s32 v6  }
0xb6: {  	v53 =	vadd.s32 $0x800, v13;
	v14 =	vsel vm3, v52, v50  }
0xb7: {  	v13 =	vsel vm2, v53, v13;
	v54 =	vadd.s32 $0x800, v6;
	[tilespmem:v49+s2+$0x0] =	vst.idx.add.f32.msk $0xffff, v1  }
0xb8: {  	v6 =	vsel vm1, v54, v6;
	[tilespmem:v10+s23+$0x0] =	vst.idx.add.f32.msk $0xffff, v1  }
0xb9: {  	[tilespmem:v11+s24+$0x0] =	vst.idx.add.f32.msk $0xffff, v1  }
0xba: {  	[tilespmem:v15+s25+$0x0] =	vst.idx.add.f32.msk $0xffff, v1  }
0xbb: {  	v55 =	vpop (erf);
	[tilespmem:v14+s26+$0x0] =	vst.idx.add.f32.msk $0xffff, v1  }
0xbc: {  	v56 =	vpop (erf);
	[tilespmem:v13+s28+$0x0] =	vst.idx.add.f32.msk $0xffff, v1  }
0xbd: {  	s3 =	sshra.s32 s3, $0x2;
	v57 =	vadd.f32 v55, v5;
	v58 =	vpop (erf);
	[tilespmem:v6+s29+$0x0] =	vst.idx.add.f32.msk $0xffff, v1  }
0xbe: {  	v60 =	vadd.f32 v8, v56;
	v59 =	vadd.f32 v7, v58;
	v15 =	vld [tilespmem:s3+$0x0]  }
0xbf: {  	v61 =	vld [tilespmem:s3+$0x1880]  }
0xc0: {  	v62 =	vadd.f32 v60, v12;
	v6 =	vadd.f32 v57, v59;
	v63 =	vld [tilespmem:s3+$0x3100]  }
0xc1: {  	v21 =	vld [tilespmem:s3+$0x4980]  }
0xc2: {  	v22 =	vld [tilespmem:s3+$0x6200];
	v6 =	vadd.f32 v62, v6  }
0xc3: {  	v23 =	vld [tilespmem:s3+$0x7A80];
	v15 =	vmul.f32 $1.442695020e+00, v15  }
0xc4: {  	v24 =	vld [tilespmem:s3+$0x9300];
	(erf) = vrcp.f32 v6;
	v16 =	vmul.f32 $1.442695020e+00, v61  }
0xc5: {  	v18 =	vld [tilespmem:s3+$0xAB80];
	v12 =	vmul.f32 $1.442695020e+00, v63;
	(erf) = vpow2.f32 v15  }
0xc6: {  	v14 =	vmul.f32 $1.442695020e+00, v21;
	(erf) = vpow2.f32 v16  }
0xc7: {  	v11 =	vmul.f32 $1.442695020e+00, v22;
	(erf) = vpow2.f32 v12  }
0xc8: {  	v25 =	vmul.f32 $1.442695020e+00, v23;
	(erf) = vpow2.f32 v14  }
0xc9: {  	v6 =	vmul.f32 $1.442695020e+00, v24;
	(erf) = vpow2.f32 v11  }
0xca: {  	v26 =	vmul.f32 $1.442695020e+00, v18;
	(erf) = vpow2.f32 v25  }
0xcb: {  	(erf) = vpow2.f32 v6  }
0xcc: {  	(erf) = vpow2.f32 v26  }
0xcd: {  	v27 =	vpop (erf)  }
0xce: {  	v28 =	vpop (erf)  }
0xcf: {  	v29 =	vpop (erf)  }
0xd0: {  	v30 =	vpop (erf)  }
0xd1: {  	v31 =	vpop (erf)  }
0xd2: {  	v32 =	vpop (erf)  }
0xd3: {  	v33 =	vpop (erf)  }
0xd4: {  	vm10 =	veq.s32 v2, $0x1;
	vm11 =	veq.s32 v2, $0x7;
	vm12 =	veq.s32 v2, $0x6;
	v34 =	vpop (erf)  }
0xd5: {  	v6 =	vmul.f32 $2.047500000e+03, v27;
	v20 =	vadd.f32 v29, v28;
	v21 =	vadd.f32 v31, v30;
	v19 =	vpop (erf)  }
0xd6: {  	vm13 =	veq.s32 v2, $0x0;
	v22 =	vadd.f32 v33, v32;
	v23 =	vadd.f32 v19, v34  }
0xd7: {  	vm14 =	veq.s32 v2, $0x5;
	vm15 =	veq.s32 v2, $0x4;
	v13 =	vmul.f32 v6, v58  }
0xd8: {  	v36 =	vmul.f32 v6, v5;
	v20 =	vadd.f32 v21, v20;
	v35 =	vadd.f32 v23, v22  }
0xd9: {  	vm5 =	veq.s32 v2, $0x3;
	v9 =	vmul.f32 v6, v55;
	v37 =	vmul.f32 v6, v7  }
0xda: {  	v3 =	vmul.f32 v6, v3;
	v4 =	vmul.f32 v6, v4;
	v20 =	vadd.f32 v35, v20  }
0xdb: {  	vm6 =	veq.s32 v2, $0x2;
	v10 =	vmul.f32 v6, v56;
	v2 =	vmul.f32 v6, v8  }
0xdc: {  	v13 =	vtrunc.f32 v13;
	(erf) = vrcp.f32 v20  }
0xdd: {  	v49 =	vld [tilespmem:s3+$0xC400];
	v5 =	vtrunc.f32 v36;
	v9 =	vtrunc.f32 v9  }
0xde: {  	v7 =	vtrunc.f32 v37;
	v3 =	vtrunc.f32 v3  }
0xdf: {  	v4 =	vtrunc.f32 v4;
	v39 =	vtrunc.f32 v10  }
0xe0: {  	v2 =	vtrunc.f32 v2;
	v13 =	vcvt.f32.s32 v13  }
0xe1: {  	v5 =	vcvt.f32.s32 v5;
	v9 =	vcvt.f32.s32 v9  }
0xe2: {  	vm8 =	veq.s32 v49, $0x0;
	v7 =	vcvt.f32.s32 v7;
	v3 =	vcvt.f32.s32 v3  }
0xe3: {  	vm9 =	veq.s32 v49, $0x1;
	v4 =	vcvt.f32.s32 v4;
	v6 =	vcvt.f32.s32 v39  }
0xe4: {  	v2 =	vcvt.f32.s32 v2;
	v38 =	vadd.s32 $0x800, v13;
	v41 =	vadd.s32 $0x800, v5  }
0xe5: {  	v42 =	vadd.s32 $0x800, v9;
	v46 =	vadd.s32 $0x800, v7;
	v47 =	vadd.s32 $0x800, v3;
	v40 =	vpop (erf)  }
0xe6: {  	v48 =	vadd.s32 $0x800, v4;
	v50 =	vadd.s32 $0x800, v6;
	v8 =	vmul.f32 $2.047500000e+03, v40  }
0xe7: {  	v53 =	vadd.s32 $0x800, v2;
	v13 =	vsel vm13, v38, v13;
	v5 =	vsel vm6, v41, v5  }
0xe8: {  	v9 =	vsel vm5, v42, v9;
	v43 =	vmul.f32 v8, v28;
	v44 =	vmul.f32 v8, v29  }
0xe9: {  	v7 =	vsel vm10, v46, v7;
	v45 =	vmul.f32 v8, v30;
	v15 =	vmul.f32 v8, v31  }
0xea: {  	v3 =	vsel vm15, v47, v3;
	v16 =	vmul.f32 v8, v32;
	v17 =	vmul.f32 v8, v33  }
0xeb: {  	v4 =	vsel vm14, v48, v4;
	v18 =	vmul.f32 v8, v34;
	v8 =	vmul.f32 v8, v19  }
0xec: {  	v6 =	vsel vm12, v50, v6;
	v10 =	vtrunc.f32 v43;
	v11 =	vtrunc.f32 v44  }
0xed: {  	v2 =	vsel vm11, v53, v2;
	v12 =	vtrunc.f32 v45;
	v15 =	vtrunc.f32 v15  }
0xee: {  	vm10 =	veq.s32 v49, $0x2;
	v52 =	vtrunc.f32 v16;
	v17 =	vtrunc.f32 v17  }
0xef: {  	vm11 =	veq.s32 v49, $0x3;
	[tilespmem:v13+s1+$0x0] =	vst.idx.add.f32.msk $0xffff, v1;
	v55 =	vtrunc.f32 v18;
	v10 =	vcvt.f32.s32 v10  }
0xf0: {  	vm12 =	veq.s32 v49, $0x4;
	[tilespmem:v7+s2+$0x0] =	vst.idx.add.f32.msk $0xffff, v1;
	v8 =	vtrunc.f32 v8;
	v11 =	vcvt.f32.s32 v11  }
0xf1: {  	[tilespmem:v5+s23+$0x0] =	vst.idx.add.f32.msk $0xffff, v1;
	v12 =	vcvt.f32.s32 v12;
	v51 =	vcvt.f32.s32 v15;
	v58 =	vadd.s32 $0x800, v10  }
0xf2: {  	[tilespmem:v9+s24+$0x0] =	vst.idx.add.f32.msk $0xffff, v1;
	v57 =	vcvt.f32.s32 v8;
	v59 =	vadd.s32 $0x800, v11;
	v8 =	vsel vm8, v58, v10  }
0xf3: {  	[tilespmem:v3+s25+$0x0] =	vst.idx.add.f32.msk $0xffff, v1;
	v15 =	vcvt.f32.s32 v52;
	v3 =	vadd.s32 $0x800, v12;
	v9 =	vsel vm9, v59, v11  }
0xf4: {  	[tilespmem:v4+s26+$0x0] =	vst.idx.add.f32.msk $0xffff, v1;
	v54 =	vcvt.f32.s32 v17;
	v60 =	vadd.s32 $0x800, v51;
	v3 =	vsel vm10, v3, v12  }
0xf5: {  	[tilespmem:v6+s28+$0x0] =	vst.idx.add.f32.msk $0xffff, v1;
	v56 =	vcvt.f32.s32 v55;
	v61 =	vadd.s32 $0x800, v15;
	v4 =	vsel vm11, v60, v51  }
0xf6: {  	vm13 =	veq.s32 v49, $0x5;
	[tilespmem:v2+s29+$0x0] =	vst.idx.add.f32.msk $0xffff, v1;
	v2 =	vadd.s32 $0x800, v54;
	v6 =	vsel vm12, v61, v15  }
0xf7: {  	vm14 =	veq.s32 v49, $0x6;
	v62 =	vadd.s32 $0x800, v56;
	v2 =	vsel vm13, v2, v54;
	[tilespmem:v8+s1+$0x0] =	vst.idx.add.f32.msk $0xffff, v1  }
0xf8: {  	vm15 =	veq.s32 v49, $0x7;
	v63 =	vadd.s32 $0x800, v57;
	v7 =	vsel vm14, v62, v56;
	[tilespmem:v9+s2+$0x0] =	vst.idx.add.f32.msk $0xffff, v1  }
0xf9: {  	v5 =	vsel vm15, v63, v57;
	[tilespmem:v3+s23+$0x0] =	vst.idx.add.f32.msk $0xffff, v1  }
0xfa: {  	[tilespmem:v4+s24+$0x0] =	vst.idx.add.f32.msk $0xffff, v1  }
0xfb: {  	[tilespmem:v6+s25+$0x0] =	vst.idx.add.f32.msk $0xffff, v1  }
0xfc: {  	[tilespmem:v2+s26+$0x0] =	vst.idx.add.f32.msk $0xffff, v1  }
0xfd: {  	[tilespmem:v7+s28+$0x0] =	vst.idx.add.f32.msk $0xffff, v1  }
0xfe: {  	[tilespmem:v5+s29+$0x0] =	vst.idx.add.f32.msk $0xffff, v1  }
0xff: {  	[hbm4b:s12+s21] =	stream.strided.scatter [tilespmem:s1], [sflag:$0x2], $0x1000, s22, s21, $0x38;
	[tilespmem:$0x15C80] =	vst v63  }
0x100: {  	_ =	swait.ge [sflag:s30], $0x1000  }
0x101: {  	[sflag:s30] =	ssyncset.done $0x0  }
0x102: {  	[sflag:s30] =	ssyncadd.s32 $0xFFFFF000  }
0x103: {  	[hbm4b:s13+s21] =	stream.strided.scatter [tilespmem:s2], [sflag:$0x2], $0x1000, s22, s21, $0x38;
	[tilespmem:$0x15C80] =	vst v63  }
0x104: {  	_ =	swait.ge [sflag:s30], $0x1000  }
0x105: {  	[sflag:s30] =	ssyncset.done $0x0  }
0x106: {  	[sflag:s30] =	ssyncadd.s32 $0xFFFFF000  }
0x107: {  	[hbm4b:s14+s21] =	stream.strided.scatter [tilespmem:s23], [sflag:$0x2], $0x1000, s22, s21, $0x38;
	[tilespmem:$0x15C80] =	vst v63  }
0x108: {  	_ =	swait.ge [sflag:s30], $0x1000  }
0x109: {  	[sflag:s30] =	ssyncset.done $0x0  }
0x10a: {  	[sflag:s30] =	ssyncadd.s32 $0xFFFFF000  }
0x10b: {  	[hbm4b:s15+s21] =	stream.strided.scatter [tilespmem:s24], [sflag:$0x2], $0x1000, s22, s21, $0x38;
	[tilespmem:$0x15C80] =	vst v63  }
0x10c: {  	_ =	swait.ge [sflag:s30], $0x1000  }
0x10d: {  	[sflag:s30] =	ssyncset.done $0x0  }
0x10e: {  	[sflag:s30] =	ssyncadd.s32 $0xFFFFF000  }
0x10f: {  	[hbm4b:s16+s21] =	stream.strided.scatter [tilespmem:s25], [sflag:$0x2], $0x1000, s22, s21, $0x38;
	[tilespmem:$0x15C80] =	vst v63  }
0x110: {  	_ =	swait.ge [sflag:s30], $0x1000  }
0x111: {  	[sflag:s30] =	ssyncset.done $0x0  }
0x112: {  	[sflag:s30] =	ssyncadd.s32 $0xFFFFF000  }
0x113: {  	[hbm4b:s17+s21] =	stream.strided.scatter [tilespmem:s26], [sflag:$0x2], $0x1000, s22, s21, $0x38;
	[tilespmem:$0x15C80] =	vst v63  }
0x114: {  	_ =	swait.ge [sflag:s30], $0x1000  }
0x115: {  	[sflag:s30] =	ssyncset.done $0x0  }
0x116: {  	[sflag:s30] =	ssyncadd.s32 $0xFFFFF000  }
0x117: {  	[hbm4b:s18+s21] =	stream.strided.scatter [tilespmem:s28], [sflag:$0x2], $0x1000, s22, s21, $0x38;
	[tilespmem:$0x15C80] =	vst v63  }
0x118: {  	s31 =	sadd.s32 $0x1, s31;
	_ =	swait.ge [sflag:s30], $0x1000  }
0x119: {  	p0 =	sne.s32 s31, s20;
	[sflag:s30] =	ssyncset.done $0x0  }
.Ltmp2:
0x11a: {  	[sflag:s30] =	ssyncadd.s32 $0xFFFFF000;
	(pc) =	sbr.rel @p0 .LBB2_1-.Ltmp2, $4  }
0x11b: {  	[hbm4b:s19+s21] =	stream.strided.scatter [tilespmem:s29], [sflag:$0x2], $0x1000, s22, s21, $0x38;
	[tilespmem:$0x15C80] =	vst v63  }
0x11c: {  	_ =	swait.ge [sflag:s30], $0x1000  }
0x11d: {  	[sflag:s30] =	ssyncset.done $0x0  }
0x11e: {  	[sflag:s30] =	ssyncadd.s32 $0xFFFFF000  }
0x11f: {  	_ =	sfence.sel $0x180000  }
0x120: {  	[bflag:$0x0] =	sbarrier.arrive $0xFFFF  }
0x121: {  	_ =	strace $0x90000047  }
0x122: {  	s0 =	stileid.u32;
	[bflag:$0x2] =	sbarrier.arrive $0xFFFF  }
0x123: {  	p0 =	sne.s32 s0, $0x0;
	s0 =	rddreg [dreg:$0x1]  }
0x124: {  	s0 =	sadd.s32 @!p0 $0x100000, s0  }
0x125: {  	[sflag:s0] =	ssyncadd.tile.s32 @!p0 $0x1;
	_ =	shalt  }
.Lfunc_end2:
_tile_overlayer_lowered:
.L_overlay_start_2:
0x126: {  	(tag) =	ssettag $0x2  }
0x127: {  	s0 =	rddreg [dreg:$0x0];
	s2 =	stileid.u32  }
0x128: {  	s1 =	rddreg [dreg:$0x1];
	p0 =	sne.s32 s2, $0x0  }
0x129: {  	s3 =	rddreg [dreg:$0x2];
	[bflag:$0x3] =	sbarrier.arrive $0xFFFF;
	s2 =	simm.s32 @!p0 $0x1C02  }
0x12a: {  	[timem:s3], [sflag:s2] =	dma.local @!p0 [hbm:s0], s1  }
0x12b: {  	s0 =	simm.s32 @!p0 $0x2  }
0x12c: {  	_ =	swait.ge @!p0 [sflag:s0], s1  }
0x12d: {  	s1 =	ssub.s32 @!p0 $0x0, s1;
	[sflag:s0] =	ssyncset.done @!p0 $0x0  }
0x12e: {  	[sflag:s0] =	ssyncadd.s32 @!p0 s1  }
0x12f: {  	[bflag:$0x3] =	sbarrier.arrive $0xFFFF  }
0x130: {  	_ =	shalt  }

</sc_bundles>
